<compile_context>
chip_gen: v7x
topology: tpu7x:2x2x1
jax: 0.10.2.dev20260603
libtpu: 0.0.44.dev20260713+nightly
codegen_flags: <defaults>
</compile_context>

<pallas_src>
import functools

import jax
import jax.numpy as jnp
from jax import lax
from jax.experimental import pallas as pl
from jax.experimental.pallas import tpu as pltpu
from jax.experimental.pallas import tpu_sc as plsc

NC = 2
NS = 16
NW = NC * NS
L = 16

F = 7
FA = F + 1


def _sc_segment_sums(xt, batch, n, n_seg):
    npw = n // NW
    npl = (npw + L - 1) // L
    w = ((npw + 16 + 7) // 8) * 8

    mesh = plsc.VectorSubcoreMesh(
        core_axis_name="c", subcore_axis_name="s",
        num_cores=NC, num_subcores=NS)

    @functools.partial(
        pl.kernel,
        out_type=jax.ShapeDtypeStruct((NW, FA, n_seg), jnp.float32),
        mesh=mesh,
        scratch_types=[
            pltpu.VMEM((F, w), jnp.float32),
            pltpu.VMEM((w,), jnp.int32),
            pltpu.VMEM((FA * n_seg,), jnp.float32),
        ],
        compiler_params=pltpu.CompilerParams(
            needs_layout_passes=False, use_tc_tiling_on_sc=False),
    )
    def seg_kernel(x_hbm, b_hbm, out_hbm, xv, bv, acc):
        wid = lax.axis_index("s") * NC + lax.axis_index("c")
        base = wid * npw
        b0 = jnp.minimum((base // 8) * 8, n - w)
        doff = base - b0
        for f in range(F):
            pltpu.sync_copy(x_hbm.at[f, pl.ds(b0, w)], xv.at[f])
        pltpu.sync_copy(b_hbm.at[pl.ds(b0, w)], bv)

        zeros = jnp.zeros((L,), jnp.float32)

        @plsc.parallel_loop(0, FA * n_seg // L, unroll=8)
        def _(i):
            acc[pl.ds(i * L, L)] = zeros

        lane = jnp.arange(L, dtype=jnp.int32)
        lane_node = lane * npl
        ones = jnp.ones((L,), jnp.float32)
        fsplat = [jnp.full((L,), f, jnp.int32) for f in range(F)]

        def step(j):
            node = lane_node + j
            valid = node < npw
            nd = jnp.minimum(node, npw - 1) + doff
            seg = plsc.load_gather(bv, [nd], mask=valid)
            plsc.addupdate_scatter(acc, [seg + (F * n_seg)], ones, mask=valid)
            for f in range(F):
                vals = plsc.load_gather(xv, [fsplat[f], nd], mask=valid)
                plsc.addupdate_scatter(acc, [seg + (f * n_seg)], vals,
                                       mask=valid)

        half = npl // 2

        @plsc.parallel_loop(0, half, unroll=2)
        def _(j):
            step(j)
            step(j + half)

        if npl % 2:
            @plsc.parallel_loop(npl - 1, npl)
            def _(j):
                step(j)

        for f in range(FA):
            pltpu.sync_copy(acc.at[pl.ds(f * n_seg, n_seg)],
                            out_hbm.at[wid, f])

    return seg_kernel(xt, batch)


def _tc_finish(partials, u, w1u, w1m, b1, w2, b2):
    n_seg = u.shape[0]

    def body(p_ref, u_ref, w1u_ref, w1m_ref, b1_ref, w2_ref, b2_ref, o_ref):
        s = p_ref[0]
        for i in range(1, NW):
            s = s + p_ref[i]
        mean_t = s[:F, :] / jnp.maximum(s[F:FA, :], 1.0)
        h = jnp.dot(u_ref[...], w1u_ref[...], preferred_element_type=jnp.float32)
        h = h + lax.dot_general(mean_t, w1m_ref[...], (((0,), (0,)), ((), ())),
                                preferred_element_type=jnp.float32)
        h = h + b1_ref[...]
        h = jnp.where(h >= 0, h, 0.01 * h)
        o_ref[...] = (jnp.dot(h, w2_ref[...], preferred_element_type=jnp.float32)
                      + b2_ref[...])

    return pl.pallas_call(
        body,
        out_shape=jax.ShapeDtypeStruct((n_seg, w2.shape[1]), jnp.float32),
    )(partials, u, w1u, w1m, b1, w2, b2)


def kernel(x, edge_index, edge_attr, u, batch, W1, b1, W2, b2):
    n_seg = u.shape[0]
    gf = u.shape[1]

    n = x.shape[0]
    partials = _sc_segment_sums(x.T, batch.astype(jnp.int32), n, n_seg)

    w1u = W1[:gf]
    w1m = W1[gf:]
    return _tc_finish(partials, u, w1u, w1m,
                      b1.reshape(1, -1), W2, b2.reshape(1, -1))

# --- scband reference (transcript-rebuilt; emitter-appended) ---
"""Pipeline reference for scband-global-model-20839181320256 (READ-ONLY COPY).

The authoritative reference and input builder live on the scoring server;
editing this copy changes nothing except your own understanding.
"""

import jax, jax.numpy as jnp
import numpy as np

NO_GRAPH_FEATURES = 64
NO_NODE_FEATURES = 7
HIDDEN = 64
N_NODES = 100000
N_EDGES = 1600000
N_GRAPHS = 1024


def setup_inputs(seed: int = 0) -> dict:
    key = jax.random.key(seed)
    ks = jax.random.split(key, 10)
    x = jax.random.normal(ks[0], (N_NODES, NO_NODE_FEATURES), dtype=jnp.float32)
    edge_index = jax.random.randint(ks[1], (2, N_EDGES), 0, N_NODES, dtype=jnp.int64)
    edge_attr = jax.random.normal(ks[2], (N_EDGES, 4), dtype=jnp.float32)
    u = jax.random.normal(ks[3], (N_GRAPHS, NO_GRAPH_FEATURES), dtype=jnp.float32)
    batch = jnp.sort(jax.random.randint(ks[4], (N_NODES,), 0, N_GRAPHS, dtype=jnp.int64))
    in_ch = NO_NODE_FEATURES + NO_GRAPH_FEATURES
    W1 = jax.random.normal(ks[5], (in_ch, HIDDEN), dtype=jnp.float32) * (1.0 / np.sqrt(in_ch))
    b1 = jnp.zeros((HIDDEN,), dtype=jnp.float32)
    W2 = jax.random.normal(ks[6], (HIDDEN, NO_GRAPH_FEATURES), dtype=jnp.float32) * (1.0 / np.sqrt(HIDDEN))
    b2 = jnp.zeros((NO_GRAPH_FEATURES,), dtype=jnp.float32)
    return {"x": x, "edge_index": edge_index, "edge_attr": edge_attr, "u": u, "batch": batch, "W1": W1, "b1": b1, "W2": W2, "b2": b2}


def reference(x, edge_index, edge_attr, u, batch, W1, b1, W2, b2):
    num_segments = u.shape[0]
    sums = jax.ops.segment_sum(x, batch, num_segments=num_segments)
    counts = jax.ops.segment_sum(jnp.ones((x.shape[0], 1), dtype=x.dtype), batch, num_segments=num_segments)
    mean = sums / jnp.maximum(counts, 1.0)
    out = jnp.concatenate([u, mean], axis=1)
    h = out @ W1 + b1
    h = jnp.where(h >= 0, h, 0.01 * h)  # LeakyReLU default slope
    return h @ W2 + b2

if __name__ == "__main__":
    import jax
    _d = setup_inputs()
    print(jax.jit(kernel)(*tuple(_d.values())))

</pallas_src>

<mosaic_0001>
#map = affine_map<(d0, d1) -> (0, 0)>
#map1 = affine_map<(d0, d1) -> (0)>
#map2 = affine_map<(d0, d1) -> (0, 0, 0)>
module attributes {stable_mosaic.version = 14 : i64} {
  func.func @seg_kernel(%arg0: i32, %arg1: i32, %arg2: memref<7x100000xf32, #tpu.memory_space<hbm>>, %arg3: memref<100000xi32, #tpu.memory_space<hbm>>, %arg4: memref<32x8x1024xf32, #tpu.memory_space<hbm>>, %arg5: memref<7x3144xf32, #tpu.memory_space<vmem>>, %arg6: memref<3144xi32, #tpu.memory_space<vmem>>, %arg7: memref<8192xf32, #tpu.memory_space<vmem>>) attributes {dimension_semantics = [#tpu.dimension_semantics<core_parallel>, #tpu.dimension_semantics<subcore_parallel>], iteration_bounds = array<i64: 2, 16>, scalar_prefetch = 0 : i64, scratch_operands = 3 : i64, tpu.core_type = #tpu.core_type<sc_vector_subcore>, window_params = [{transform_indices = #map}, {transform_indices = #map1}, {transform_indices = #map2}]} {
    %mul3A = arith.constant 2 : i32
    %mul3A_0 = arith.muli %arg1, %mul3A : i32
    %add3A = arith.addi %mul3A_0, %arg0 : i32
    %mul3A_1 = arith.constant 3125 : i32
    %mul3A_2 = arith.muli %add3A, %mul3A_1 : i32
    %jit3A = arith.constant 8 : i32
    %div3A = arith.divsi %mul3A_2, %jit3A : i32
    %sign3A = arith.constant 0 : i32
    %sign3A_3 = arith.cmpi sgt, %mul3A_2, %sign3A : i32
    %sign3A_4 = arith.extui %sign3A_3 : i1 to i32
    %sign3A_5 = arith.constant 0 : i32
    %sign3A_6 = arith.cmpi slt, %mul3A_2, %sign3A_5 : i32
    %sign3A_7 = arith.extui %sign3A_6 : i1 to i32
    %sign3A_8 = arith.subi %sign3A_4, %sign3A_7 : i32
    %sign3A_9 = arith.constant 0 : i32
    %sign3A_10 = arith.cmpi sgt, %jit3A, %sign3A_9 : i32
    %sign3A_11 = arith.extui %sign3A_10 : i1 to i32
    %sign3A_12 = arith.constant 0 : i32
    %sign3A_13 = arith.cmpi slt, %jit3A, %sign3A_12 : i32
    %sign3A_14 = arith.extui %sign3A_13 : i1 to i32
    %sign3A_15 = arith.subi %sign3A_11, %sign3A_14 : i32
    %ne3A = arith.cmpi ne, %sign3A_8, %sign3A_15 : i32
    %rem3A = arith.remsi %mul3A_2, %jit3A : i32
    %ne3A_16 = arith.constant 0 : i32
    %ne3A_17 = arith.cmpi ne, %rem3A, %ne3A_16 : i32
    %and3A = arith.andi %ne3A, %ne3A_17 : i1
    %sub3A = arith.constant 1 : i32
    %sub3A_18 = arith.subi %div3A, %sub3A : i32
    %select_n3A = arith.select %and3A, %sub3A_18, %div3A : i32
    %mul3A_19 = arith.constant 8 : i32
    %mul3A_20 = arith.muli %select_n3A, %mul3A_19 : i32
    %min3A = arith.constant 96856 : i32
    %min3A_21 = arith.minsi %mul3A_20, %min3A : i32
    %sub3A_22 = arith.subi %mul3A_2, %min3A_21 : i32
    %run_scoped3A = arith.constant 0 : i32
    %run_scoped3A_23 = arith.constant 0 : i32
    "tpu.region"() ({
      %run_scoped3A_69 = tpu.sem_alloc : memref<!tpu.dma_semaphore, #tpu.memory_space<semaphore_mem>>
      %dma_start3A = arith.constant 0 : i32
      %dma_start3A_70 = tpu.memref_slice %arg5[%run_scoped3A_23, %dma_start3A] : memref<7x3144xf32, #tpu.memory_space<vmem>> -> memref<1x3144xf32, #tpu.memory_space<vmem>>
      %dma_start3A_71 = tpu.memref_squeeze %dma_start3A_70 : memref<1x3144xf32, #tpu.memory_space<vmem>> -> memref<3144xf32, #tpu.memory_space<vmem>>
      %dma_start3A_72 = tpu.memref_slice %arg2[%run_scoped3A, %min3A_21] : memref<7x100000xf32, #tpu.memory_space<hbm>> -> memref<1x3144xf32, #tpu.memory_space<hbm>>
      %dma_start3A_73 = tpu.memref_squeeze %dma_start3A_72 : memref<1x3144xf32, #tpu.memory_space<hbm>> -> memref<3144xf32, #tpu.memory_space<hbm>>
      %dma_start3A_74 = arith.constant 0 : i32
      %dma_start3A_75 = tpu.memref_slice %arg5[%run_scoped3A_23, %dma_start3A_74] : memref<7x3144xf32, #tpu.memory_space<vmem>> -> memref<1x3144xf32, #tpu.memory_space<vmem>>
      %dma_start3A_76 = tpu.memref_squeeze %dma_start3A_75 : memref<1x3144xf32, #tpu.memory_space<vmem>> -> memref<3144xf32, #tpu.memory_space<vmem>>
      %dma_start3A_77 = tpu.memref_slice %arg2[%run_scoped3A, %min3A_21] : memref<7x100000xf32, #tpu.memory_space<hbm>> -> memref<1x3144xf32, #tpu.memory_space<hbm>>
      %dma_start3A_78 = tpu.memref_squeeze %dma_start3A_77 : memref<1x3144xf32, #tpu.memory_space<hbm>> -> memref<3144xf32, #tpu.memory_space<hbm>>
      tpu.enqueue_dma source(%dma_start3A_78 : memref<3144xf32, #tpu.memory_space<hbm>>) target(%dma_start3A_76 : memref<3144xf32, #tpu.memory_space<vmem>>) target_semaphore(%run_scoped3A_69 : memref<!tpu.dma_semaphore, #tpu.memory_space<semaphore_mem>>)
      %dma_wait3A = arith.constant 0 : i32
      %dma_wait3A_79 = tpu.memref_slice %arg5[%run_scoped3A_23, %dma_wait3A] : memref<7x3144xf32, #tpu.memory_space<vmem>> -> memref<1x3144xf32, #tpu.memory_space<vmem>>
      %dma_wait3A_80 = tpu.memref_squeeze %dma_wait3A_79 : memref<1x3144xf32, #tpu.memory_space<vmem>> -> memref<3144xf32, #tpu.memory_space<vmem>>
      %dma_wait3A_81 = tpu.memref_slice %arg2[%run_scoped3A, %min3A_21] : memref<7x100000xf32, #tpu.memory_space<hbm>> -> memref<1x3144xf32, #tpu.memory_space<hbm>>
      %dma_wait3A_82 = tpu.memref_squeeze %dma_wait3A_81 : memref<1x3144xf32, #tpu.memory_space<hbm>> -> memref<3144xf32, #tpu.memory_space<hbm>>
      %dma_wait3A_83 = arith.constant 0 : i32
      %dma_wait3A_84 = tpu.memref_slice %arg5[%run_scoped3A_23, %dma_wait3A_83] : memref<7x3144xf32, #tpu.memory_space<vmem>> -> memref<1x3144xf32, #tpu.memory_space<vmem>>
      %dma_wait3A_85 = tpu.memref_squeeze %dma_wait3A_84 : memref<1x3144xf32, #tpu.memory_space<vmem>> -> memref<3144xf32, #tpu.memory_space<vmem>>
      %dma_wait3A_86 = tpu.memref_slice %arg2[%run_scoped3A, %min3A_21] : memref<7x100000xf32, #tpu.memory_space<hbm>> -> memref<1x3144xf32, #tpu.memory_space<hbm>>
      %dma_wait3A_87 = tpu.memref_squeeze %dma_wait3A_86 : memref<1x3144xf32, #tpu.memory_space<hbm>> -> memref<3144xf32, #tpu.memory_space<hbm>>
      tpu.wait_dma2 semaphore(%run_scoped3A_69 : memref<!tpu.dma_semaphore, #tpu.memory_space<semaphore_mem>>) src(%dma_wait3A_87 : memref<3144xf32, #tpu.memory_space<hbm>>) dst(%dma_wait3A_85 : memref<3144xf32, #tpu.memory_space<vmem>>)
      tpu.yield
    }) : () -> ()
    %run_scoped3A_24 = arith.constant 1 : i32
    %run_scoped3A_25 = arith.constant 1 : i32
    "tpu.region"() ({
      %run_scoped3A_69 = tpu.sem_alloc : memref<!tpu.dma_semaphore, #tpu.memory_space<semaphore_mem>>
      %dma_start3A = arith.constant 0 : i32
      %dma_start3A_70 = tpu.memref_slice %arg5[%run_scoped3A_25, %dma_start3A] : memref<7x3144xf32, #tpu.memory_space<vmem>> -> memref<1x3144xf32, #tpu.memory_space<vmem>>
      %dma_start3A_71 = tpu.memref_squeeze %dma_start3A_70 : memref<1x3144xf32, #tpu.memory_space<vmem>> -> memref<3144xf32, #tpu.memory_space<vmem>>
      %dma_start3A_72 = tpu.memref_slice %arg2[%run_scoped3A_24, %min3A_21] : memref<7x100000xf32, #tpu.memory_space<hbm>> -> memref<1x3144xf32, #tpu.memory_space<hbm>>
      %dma_start3A_73 = tpu.memref_squeeze %dma_start3A_72 : memref<1x3144xf32, #tpu.memory_space<hbm>> -> memref<3144xf32, #tpu.memory_space<hbm>>
      %dma_start3A_74 = arith.constant 0 : i32
      %dma_start3A_75 = tpu.memref_slice %arg5[%run_scoped3A_25, %dma_start3A_74] : memref<7x3144xf32, #tpu.memory_space<vmem>> -> memref<1x3144xf32, #tpu.memory_space<vmem>>
      %dma_start3A_76 = tpu.memref_squeeze %dma_start3A_75 : memref<1x3144xf32, #tpu.memory_space<vmem>> -> memref<3144xf32, #tpu.memory_space<vmem>>
      %dma_start3A_77 = tpu.memref_slice %arg2[%run_scoped3A_24, %min3A_21] : memref<7x100000xf32, #tpu.memory_space<hbm>> -> memref<1x3144xf32, #tpu.memory_space<hbm>>
      %dma_start3A_78 = tpu.memref_squeeze %dma_start3A_77 : memref<1x3144xf32, #tpu.memory_space<hbm>> -> memref<3144xf32, #tpu.memory_space<hbm>>
      tpu.enqueue_dma source(%dma_start3A_78 : memref<3144xf32, #tpu.memory_space<hbm>>) target(%dma_start3A_76 : memref<3144xf32, #tpu.memory_space<vmem>>) target_semaphore(%run_scoped3A_69 : memref<!tpu.dma_semaphore, #tpu.memory_space<semaphore_mem>>)
      %dma_wait3A = arith.constant 0 : i32
      %dma_wait3A_79 = tpu.memref_slice %arg5[%run_scoped3A_25, %dma_wait3A] : memref<7x3144xf32, #tpu.memory_space<vmem>> -> memref<1x3144xf32, #tpu.memory_space<vmem>>
      %dma_wait3A_80 = tpu.memref_squeeze %dma_wait3A_79 : memref<1x3144xf32, #tpu.memory_space<vmem>> -> memref<3144xf32, #tpu.memory_space<vmem>>
      %dma_wait3A_81 = tpu.memref_slice %arg2[%run_scoped3A_24, %min3A_21] : memref<7x100000xf32, #tpu.memory_space<hbm>> -> memref<1x3144xf32, #tpu.memory_space<hbm>>
      %dma_wait3A_82 = tpu.memref_squeeze %dma_wait3A_81 : memref<1x3144xf32, #tpu.memory_space<hbm>> -> memref<3144xf32, #tpu.memory_space<hbm>>
      %dma_wait3A_83 = arith.constant 0 : i32
      %dma_wait3A_84 = tpu.memref_slice %arg5[%run_scoped3A_25, %dma_wait3A_83] : memref<7x3144xf32, #tpu.memory_space<vmem>> -> memref<1x3144xf32, #tpu.memory_space<vmem>>
      %dma_wait3A_85 = tpu.memref_squeeze %dma_wait3A_84 : memref<1x3144xf32, #tpu.memory_space<vmem>> -> memref<3144xf32, #tpu.memory_space<vmem>>
      %dma_wait3A_86 = tpu.memref_slice %arg2[%run_scoped3A_24, %min3A_21] : memref<7x100000xf32, #tpu.memory_space<hbm>> -> memref<1x3144xf32, #tpu.memory_space<hbm>>
      %dma_wait3A_87 = tpu.memref_squeeze %dma_wait3A_86 : memref<1x3144xf32, #tpu.memory_space<hbm>> -> memref<3144xf32, #tpu.memory_space<hbm>>
      tpu.wait_dma2 semaphore(%run_scoped3A_69 : memref<!tpu.dma_semaphore, #tpu.memory_space<semaphore_mem>>) src(%dma_wait3A_87 : memref<3144xf32, #tpu.memory_space<hbm>>) dst(%dma_wait3A_85 : memref<3144xf32, #tpu.memory_space<vmem>>)
      tpu.yield
    }) : () -> ()
    %run_scoped3A_26 = arith.constant 2 : i32
    %run_scoped3A_27 = arith.constant 2 : i32
    "tpu.region"() ({
      %run_scoped3A_69 = tpu.sem_alloc : memref<!tpu.dma_semaphore, #tpu.memory_space<semaphore_mem>>
      %dma_start3A = arith.constant 0 : i32
      %dma_start3A_70 = tpu.memref_slice %arg5[%run_scoped3A_27, %dma_start3A] : memref<7x3144xf32, #tpu.memory_space<vmem>> -> memref<1x3144xf32, #tpu.memory_space<vmem>>
      %dma_start3A_71 = tpu.memref_squeeze %dma_start3A_70 : memref<1x3144xf32, #tpu.memory_space<vmem>> -> memref<3144xf32, #tpu.memory_space<vmem>>
      %dma_start3A_72 = tpu.memref_slice %arg2[%run_scoped3A_26, %min3A_21] : memref<7x100000xf32, #tpu.memory_space<hbm>> -> memref<1x3144xf32, #tpu.memory_space<hbm>>
      %dma_start3A_73 = tpu.memref_squeeze %dma_start3A_72 : memref<1x3144xf32, #tpu.memory_space<hbm>> -> memref<3144xf32, #tpu.memory_space<hbm>>
      %dma_start3A_74 = arith.constant 0 : i32
      %dma_start3A_75 = tpu.memref_slice %arg5[%run_scoped3A_27, %dma_start3A_74] : memref<7x3144xf32, #tpu.memory_space<vmem>> -> memref<1x3144xf32, #tpu.memory_space<vmem>>
      %dma_start3A_76 = tpu.memref_squeeze %dma_start3A_75 : memref<1x3144xf32, #tpu.memory_space<vmem>> -> memref<3144xf32, #tpu.memory_space<vmem>>
      %dma_start3A_77 = tpu.memref_slice %arg2[%run_scoped3A_26, %min3A_21] : memref<7x100000xf32, #tpu.memory_space<hbm>> -> memref<1x3144xf32, #tpu.memory_space<hbm>>
      %dma_start3A_78 = tpu.memref_squeeze %dma_start3A_77 : memref<1x3144xf32, #tpu.memory_space<hbm>> -> memref<3144xf32, #tpu.memory_space<hbm>>
      tpu.enqueue_dma source(%dma_start3A_78 : memref<3144xf32, #tpu.memory_space<hbm>>) target(%dma_start3A_76 : memref<3144xf32, #tpu.memory_space<vmem>>) target_semaphore(%run_scoped3A_69 : memref<!tpu.dma_semaphore, #tpu.memory_space<semaphore_mem>>)
      %dma_wait3A = arith.constant 0 : i32
      %dma_wait3A_79 = tpu.memref_slice %arg5[%run_scoped3A_27, %dma_wait3A] : memref<7x3144xf32, #tpu.memory_space<vmem>> -> memref<1x3144xf32, #tpu.memory_space<vmem>>
      %dma_wait3A_80 = tpu.memref_squeeze %dma_wait3A_79 : memref<1x3144xf32, #tpu.memory_space<vmem>> -> memref<3144xf32, #tpu.memory_space<vmem>>
      %dma_wait3A_81 = tpu.memref_slice %arg2[%run_scoped3A_26, %min3A_21] : memref<7x100000xf32, #tpu.memory_space<hbm>> -> memref<1x3144xf32, #tpu.memory_space<hbm>>
      %dma_wait3A_82 = tpu.memref_squeeze %dma_wait3A_81 : memref<1x3144xf32, #tpu.memory_space<hbm>> -> memref<3144xf32, #tpu.memory_space<hbm>>
      %dma_wait3A_83 = arith.constant 0 : i32
      %dma_wait3A_84 = tpu.memref_slice %arg5[%run_scoped3A_27, %dma_wait3A_83] : memref<7x3144xf32, #tpu.memory_space<vmem>> -> memref<1x3144xf32, #tpu.memory_space<vmem>>
      %dma_wait3A_85 = tpu.memref_squeeze %dma_wait3A_84 : memref<1x3144xf32, #tpu.memory_space<vmem>> -> memref<3144xf32, #tpu.memory_space<vmem>>
      %dma_wait3A_86 = tpu.memref_slice %arg2[%run_scoped3A_26, %min3A_21] : memref<7x100000xf32, #tpu.memory_space<hbm>> -> memref<1x3144xf32, #tpu.memory_space<hbm>>
      %dma_wait3A_87 = tpu.memref_squeeze %dma_wait3A_86 : memref<1x3144xf32, #tpu.memory_space<hbm>> -> memref<3144xf32, #tpu.memory_space<hbm>>
      tpu.wait_dma2 semaphore(%run_scoped3A_69 : memref<!tpu.dma_semaphore, #tpu.memory_space<semaphore_mem>>) src(%dma_wait3A_87 : memref<3144xf32, #tpu.memory_space<hbm>>) dst(%dma_wait3A_85 : memref<3144xf32, #tpu.memory_space<vmem>>)
      tpu.yield
    }) : () -> ()
    %run_scoped3A_28 = arith.constant 3 : i32
    %run_scoped3A_29 = arith.constant 3 : i32
    "tpu.region"() ({
      %run_scoped3A_69 = tpu.sem_alloc : memref<!tpu.dma_semaphore, #tpu.memory_space<semaphore_mem>>
      %dma_start3A = arith.constant 0 : i32
      %dma_start3A_70 = tpu.memref_slice %arg5[%run_scoped3A_29, %dma_start3A] : memref<7x3144xf32, #tpu.memory_space<vmem>> -> memref<1x3144xf32, #tpu.memory_space<vmem>>
      %dma_start3A_71 = tpu.memref_squeeze %dma_start3A_70 : memref<1x3144xf32, #tpu.memory_space<vmem>> -> memref<3144xf32, #tpu.memory_space<vmem>>
      %dma_start3A_72 = tpu.memref_slice %arg2[%run_scoped3A_28, %min3A_21] : memref<7x100000xf32, #tpu.memory_space<hbm>> -> memref<1x3144xf32, #tpu.memory_space<hbm>>
      %dma_start3A_73 = tpu.memref_squeeze %dma_start3A_72 : memref<1x3144xf32, #tpu.memory_space<hbm>> -> memref<3144xf32, #tpu.memory_space<hbm>>
      %dma_start3A_74 = arith.constant 0 : i32
      %dma_start3A_75 = tpu.memref_slice %arg5[%run_scoped3A_29, %dma_start3A_74] : memref<7x3144xf32, #tpu.memory_space<vmem>> -> memref<1x3144xf32, #tpu.memory_space<vmem>>
      %dma_start3A_76 = tpu.memref_squeeze %dma_start3A_75 : memref<1x3144xf32, #tpu.memory_space<vmem>> -> memref<3144xf32, #tpu.memory_space<vmem>>
      %dma_start3A_77 = tpu.memref_slice %arg2[%run_scoped3A_28, %min3A_21] : memref<7x100000xf32, #tpu.memory_space<hbm>> -> memref<1x3144xf32, #tpu.memory_space<hbm>>
      %dma_start3A_78 = tpu.memref_squeeze %dma_start3A_77 : memref<1x3144xf32, #tpu.memory_space<hbm>> -> memref<3144xf32, #tpu.memory_space<hbm>>
      tpu.enqueue_dma source(%dma_start3A_78 : memref<3144xf32, #tpu.memory_space<hbm>>) target(%dma_start3A_76 : memref<3144xf32, #tpu.memory_space<vmem>>) target_semaphore(%run_scoped3A_69 : memref<!tpu.dma_semaphore, #tpu.memory_space<semaphore_mem>>)
      %dma_wait3A = arith.constant 0 : i32
      %dma_wait3A_79 = tpu.memref_slice %arg5[%run_scoped3A_29, %dma_wait3A] : memref<7x3144xf32, #tpu.memory_space<vmem>> -> memref<1x3144xf32, #tpu.memory_space<vmem>>
      %dma_wait3A_80 = tpu.memref_squeeze %dma_wait3A_79 : memref<1x3144xf32, #tpu.memory_space<vmem>> -> memref<3144xf32, #tpu.memory_space<vmem>>
      %dma_wait3A_81 = tpu.memref_slice %arg2[%run_scoped3A_28, %min3A_21] : memref<7x100000xf32, #tpu.memory_space<hbm>> -> memref<1x3144xf32, #tpu.memory_space<hbm>>
      %dma_wait3A_82 = tpu.memref_squeeze %dma_wait3A_81 : memref<1x3144xf32, #tpu.memory_space<hbm>> -> memref<3144xf32, #tpu.memory_space<hbm>>
      %dma_wait3A_83 = arith.constant 0 : i32
      %dma_wait3A_84 = tpu.memref_slice %arg5[%run_scoped3A_29, %dma_wait3A_83] : memref<7x3144xf32, #tpu.memory_space<vmem>> -> memref<1x3144xf32, #tpu.memory_space<vmem>>
      %dma_wait3A_85 = tpu.memref_squeeze %dma_wait3A_84 : memref<1x3144xf32, #tpu.memory_space<vmem>> -> memref<3144xf32, #tpu.memory_space<vmem>>
      %dma_wait3A_86 = tpu.memref_slice %arg2[%run_scoped3A_28, %min3A_21] : memref<7x100000xf32, #tpu.memory_space<hbm>> -> memref<1x3144xf32, #tpu.memory_space<hbm>>
      %dma_wait3A_87 = tpu.memref_squeeze %dma_wait3A_86 : memref<1x3144xf32, #tpu.memory_space<hbm>> -> memref<3144xf32, #tpu.memory_space<hbm>>
      tpu.wait_dma2 semaphore(%run_scoped3A_69 : memref<!tpu.dma_semaphore, #tpu.memory_space<semaphore_mem>>) src(%dma_wait3A_87 : memref<3144xf32, #tpu.memory_space<hbm>>) dst(%dma_wait3A_85 : memref<3144xf32, #tpu.memory_space<vmem>>)
      tpu.yield
    }) : () -> ()
    %run_scoped3A_30 = arith.constant 4 : i32
    %run_scoped3A_31 = arith.constant 4 : i32
    "tpu.region"() ({
      %run_scoped3A_69 = tpu.sem_alloc : memref<!tpu.dma_semaphore, #tpu.memory_space<semaphore_mem>>
      %dma_start3A = arith.constant 0 : i32
      %dma_start3A_70 = tpu.memref_slice %arg5[%run_scoped3A_31, %dma_start3A] : memref<7x3144xf32, #tpu.memory_space<vmem>> -> memref<1x3144xf32, #tpu.memory_space<vmem>>
      %dma_start3A_71 = tpu.memref_squeeze %dma_start3A_70 : memref<1x3144xf32, #tpu.memory_space<vmem>> -> memref<3144xf32, #tpu.memory_space<vmem>>
      %dma_start3A_72 = tpu.memref_slice %arg2[%run_scoped3A_30, %min3A_21] : memref<7x100000xf32, #tpu.memory_space<hbm>> -> memref<1x3144xf32, #tpu.memory_space<hbm>>
      %dma_start3A_73 = tpu.memref_squeeze %dma_start3A_72 : memref<1x3144xf32, #tpu.memory_space<hbm>> -> memref<3144xf32, #tpu.memory_space<hbm>>
      %dma_start3A_74 = arith.constant 0 : i32
      %dma_start3A_75 = tpu.memref_slice %arg5[%run_scoped3A_31, %dma_start3A_74] : memref<7x3144xf32, #tpu.memory_space<vmem>> -> memref<1x3144xf32, #tpu.memory_space<vmem>>
      %dma_start3A_76 = tpu.memref_squeeze %dma_start3A_75 : memref<1x3144xf32, #tpu.memory_space<vmem>> -> memref<3144xf32, #tpu.memory_space<vmem>>
      %dma_start3A_77 = tpu.memref_slice %arg2[%run_scoped3A_30, %min3A_21] : memref<7x100000xf32, #tpu.memory_space<hbm>> -> memref<1x3144xf32, #tpu.memory_space<hbm>>
      %dma_start3A_78 = tpu.memref_squeeze %dma_start3A_77 : memref<1x3144xf32, #tpu.memory_space<hbm>> -> memref<3144xf32, #tpu.memory_space<hbm>>
      tpu.enqueue_dma source(%dma_start3A_78 : memref<3144xf32, #tpu.memory_space<hbm>>) target(%dma_start3A_76 : memref<3144xf32, #tpu.memory_space<vmem>>) target_semaphore(%run_scoped3A_69 : memref<!tpu.dma_semaphore, #tpu.memory_space<semaphore_mem>>)
      %dma_wait3A = arith.constant 0 : i32
      %dma_wait3A_79 = tpu.memref_slice %arg5[%run_scoped3A_31, %dma_wait3A] : memref<7x3144xf32, #tpu.memory_space<vmem>> -> memref<1x3144xf32, #tpu.memory_space<vmem>>
      %dma_wait3A_80 = tpu.memref_squeeze %dma_wait3A_79 : memref<1x3144xf32, #tpu.memory_space<vmem>> -> memref<3144xf32, #tpu.memory_space<vmem>>
      %dma_wait3A_81 = tpu.memref_slice %arg2[%run_scoped3A_30, %min3A_21] : memref<7x100000xf32, #tpu.memory_space<hbm>> -> memref<1x3144xf32, #tpu.memory_space<hbm>>
      %dma_wait3A_82 = tpu.memref_squeeze %dma_wait3A_81 : memref<1x3144xf32, #tpu.memory_space<hbm>> -> memref<3144xf32, #tpu.memory_space<hbm>>
      %dma_wait3A_83 = arith.constant 0 : i32
      %dma_wait3A_84 = tpu.memref_slice %arg5[%run_scoped3A_31, %dma_wait3A_83] : memref<7x3144xf32, #tpu.memory_space<vmem>> -> memref<1x3144xf32, #tpu.memory_space<vmem>>
      %dma_wait3A_85 = tpu.memref_squeeze %dma_wait3A_84 : memref<1x3144xf32, #tpu.memory_space<vmem>> -> memref<3144xf32, #tpu.memory_space<vmem>>
      %dma_wait3A_86 = tpu.memref_slice %arg2[%run_scoped3A_30, %min3A_21] : memref<7x100000xf32, #tpu.memory_space<hbm>> -> memref<1x3144xf32, #tpu.memory_space<hbm>>
      %dma_wait3A_87 = tpu.memref_squeeze %dma_wait3A_86 : memref<1x3144xf32, #tpu.memory_space<hbm>> -> memref<3144xf32, #tpu.memory_space<hbm>>
      tpu.wait_dma2 semaphore(%run_scoped3A_69 : memref<!tpu.dma_semaphore, #tpu.memory_space<semaphore_mem>>) src(%dma_wait3A_87 : memref<3144xf32, #tpu.memory_space<hbm>>) dst(%dma_wait3A_85 : memref<3144xf32, #tpu.memory_space<vmem>>)
      tpu.yield
    }) : () -> ()
    %run_scoped3A_32 = arith.constant 5 : i32
    %run_scoped3A_33 = arith.constant 5 : i32
    "tpu.region"() ({
      %run_scoped3A_69 = tpu.sem_alloc : memref<!tpu.dma_semaphore, #tpu.memory_space<semaphore_mem>>
      %dma_start3A = arith.constant 0 : i32
      %dma_start3A_70 = tpu.memref_slice %arg5[%run_scoped3A_33, %dma_start3A] : memref<7x3144xf32, #tpu.memory_space<vmem>> -> memref<1x3144xf32, #tpu.memory_space<vmem>>
      %dma_start3A_71 = tpu.memref_squeeze %dma_start3A_70 : memref<1x3144xf32, #tpu.memory_space<vmem>> -> memref<3144xf32, #tpu.memory_space<vmem>>
      %dma_start3A_72 = tpu.memref_slice %arg2[%run_scoped3A_32, %min3A_21] : memref<7x100000xf32, #tpu.memory_space<hbm>> -> memref<1x3144xf32, #tpu.memory_space<hbm>>
      %dma_start3A_73 = tpu.memref_squeeze %dma_start3A_72 : memref<1x3144xf32, #tpu.memory_space<hbm>> -> memref<3144xf32, #tpu.memory_space<hbm>>
      %dma_start3A_74 = arith.constant 0 : i32
      %dma_start3A_75 = tpu.memref_slice %arg5[%run_scoped3A_33, %dma_start3A_74] : memref<7x3144xf32, #tpu.memory_space<vmem>> -> memref<1x3144xf32, #tpu.memory_space<vmem>>
      %dma_start3A_76 = tpu.memref_squeeze %dma_start3A_75 : memref<1x3144xf32, #tpu.memory_space<vmem>> -> memref<3144xf32, #tpu.memory_space<vmem>>
      %dma_start3A_77 = tpu.memref_slice %arg2[%run_scoped3A_32, %min3A_21] : memref<7x100000xf32, #tpu.memory_space<hbm>> -> memref<1x3144xf32, #tpu.memory_space<hbm>>
      %dma_start3A_78 = tpu.memref_squeeze %dma_start3A_77 : memref<1x3144xf32, #tpu.memory_space<hbm>> -> memref<3144xf32, #tpu.memory_space<hbm>>
      tpu.enqueue_dma source(%dma_start3A_78 : memref<3144xf32, #tpu.memory_space<hbm>>) target(%dma_start3A_76 : memref<3144xf32, #tpu.memory_space<vmem>>) target_semaphore(%run_scoped3A_69 : memref<!tpu.dma_semaphore, #tpu.memory_space<semaphore_mem>>)
      %dma_wait3A = arith.constant 0 : i32
      %dma_wait3A_79 = tpu.memref_slice %arg5[%run_scoped3A_33, %dma_wait3A] : memref<7x3144xf32, #tpu.memory_space<vmem>> -> memref<1x3144xf32, #tpu.memory_space<vmem>>
      %dma_wait3A_80 = tpu.memref_squeeze %dma_wait3A_79 : memref<1x3144xf32, #tpu.memory_space<vmem>> -> memref<3144xf32, #tpu.memory_space<vmem>>
      %dma_wait3A_81 = tpu.memref_slice %arg2[%run_scoped3A_32, %min3A_21] : memref<7x100000xf32, #tpu.memory_space<hbm>> -> memref<1x3144xf32, #tpu.memory_space<hbm>>
      %dma_wait3A_82 = tpu.memref_squeeze %dma_wait3A_81 : memref<1x3144xf32, #tpu.memory_space<hbm>> -> memref<3144xf32, #tpu.memory_space<hbm>>
      %dma_wait3A_83 = arith.constant 0 : i32
      %dma_wait3A_84 = tpu.memref_slice %arg5[%run_scoped3A_33, %dma_wait3A_83] : memref<7x3144xf32, #tpu.memory_space<vmem>> -> memref<1x3144xf32, #tpu.memory_space<vmem>>
      %dma_wait3A_85 = tpu.memref_squeeze %dma_wait3A_84 : memref<1x3144xf32, #tpu.memory_space<vmem>> -> memref<3144xf32, #tpu.memory_space<vmem>>
      %dma_wait3A_86 = tpu.memref_slice %arg2[%run_scoped3A_32, %min3A_21] : memref<7x100000xf32, #tpu.memory_space<hbm>> -> memref<1x3144xf32, #tpu.memory_space<hbm>>
      %dma_wait3A_87 = tpu.memref_squeeze %dma_wait3A_86 : memref<1x3144xf32, #tpu.memory_space<hbm>> -> memref<3144xf32, #tpu.memory_space<hbm>>
      tpu.wait_dma2 semaphore(%run_scoped3A_69 : memref<!tpu.dma_semaphore, #tpu.memory_space<semaphore_mem>>) src(%dma_wait3A_87 : memref<3144xf32, #tpu.memory_space<hbm>>) dst(%dma_wait3A_85 : memref<3144xf32, #tpu.memory_space<vmem>>)
      tpu.yield
    }) : () -> ()
    %run_scoped3A_34 = arith.constant 6 : i32
    %run_scoped3A_35 = arith.constant 6 : i32
    "tpu.region"() ({
      %run_scoped3A_69 = tpu.sem_alloc : memref<!tpu.dma_semaphore, #tpu.memory_space<semaphore_mem>>
      %dma_start3A = arith.constant 0 : i32
      %dma_start3A_70 = tpu.memref_slice %arg5[%run_scoped3A_35, %dma_start3A] : memref<7x3144xf32, #tpu.memory_space<vmem>> -> memref<1x3144xf32, #tpu.memory_space<vmem>>
      %dma_start3A_71 = tpu.memref_squeeze %dma_start3A_70 : memref<1x3144xf32, #tpu.memory_space<vmem>> -> memref<3144xf32, #tpu.memory_space<vmem>>
      %dma_start3A_72 = tpu.memref_slice %arg2[%run_scoped3A_34, %min3A_21] : memref<7x100000xf32, #tpu.memory_space<hbm>> -> memref<1x3144xf32, #tpu.memory_space<hbm>>
      %dma_start3A_73 = tpu.memref_squeeze %dma_start3A_72 : memref<1x3144xf32, #tpu.memory_space<hbm>> -> memref<3144xf32, #tpu.memory_space<hbm>>
      %dma_start3A_74 = arith.constant 0 : i32
      %dma_start3A_75 = tpu.memref_slice %arg5[%run_scoped3A_35, %dma_start3A_74] : memref<7x3144xf32, #tpu.memory_space<vmem>> -> memref<1x3144xf32, #tpu.memory_space<vmem>>
      %dma_start3A_76 = tpu.memref_squeeze %dma_start3A_75 : memref<1x3144xf32, #tpu.memory_space<vmem>> -> memref<3144xf32, #tpu.memory_space<vmem>>
      %dma_start3A_77 = tpu.memref_slice %arg2[%run_scoped3A_34, %min3A_21] : memref<7x100000xf32, #tpu.memory_space<hbm>> -> memref<1x3144xf32, #tpu.memory_space<hbm>>
      %dma_start3A_78 = tpu.memref_squeeze %dma_start3A_77 : memref<1x3144xf32, #tpu.memory_space<hbm>> -> memref<3144xf32, #tpu.memory_space<hbm>>
      tpu.enqueue_dma source(%dma_start3A_78 : memref<3144xf32, #tpu.memory_space<hbm>>) target(%dma_start3A_76 : memref<3144xf32, #tpu.memory_space<vmem>>) target_semaphore(%run_scoped3A_69 : memref<!tpu.dma_semaphore, #tpu.memory_space<semaphore_mem>>)
      %dma_wait3A = arith.constant 0 : i32
      %dma_wait3A_79 = tpu.memref_slice %arg5[%run_scoped3A_35, %dma_wait3A] : memref<7x3144xf32, #tpu.memory_space<vmem>> -> memref<1x3144xf32, #tpu.memory_space<vmem>>
      %dma_wait3A_80 = tpu.memref_squeeze %dma_wait3A_79 : memref<1x3144xf32, #tpu.memory_space<vmem>> -> memref<3144xf32, #tpu.memory_space<vmem>>
      %dma_wait3A_81 = tpu.memref_slice %arg2[%run_scoped3A_34, %min3A_21] : memref<7x100000xf32, #tpu.memory_space<hbm>> -> memref<1x3144xf32, #tpu.memory_space<hbm>>
      %dma_wait3A_82 = tpu.memref_squeeze %dma_wait3A_81 : memref<1x3144xf32, #tpu.memory_space<hbm>> -> memref<3144xf32, #tpu.memory_space<hbm>>
      %dma_wait3A_83 = arith.constant 0 : i32
      %dma_wait3A_84 = tpu.memref_slice %arg5[%run_scoped3A_35, %dma_wait3A_83] : memref<7x3144xf32, #tpu.memory_space<vmem>> -> memref<1x3144xf32, #tpu.memory_space<vmem>>
      %dma_wait3A_85 = tpu.memref_squeeze %dma_wait3A_84 : memref<1x3144xf32, #tpu.memory_space<vmem>> -> memref<3144xf32, #tpu.memory_space<vmem>>
      %dma_wait3A_86 = tpu.memref_slice %arg2[%run_scoped3A_34, %min3A_21] : memref<7x100000xf32, #tpu.memory_space<hbm>> -> memref<1x3144xf32, #tpu.memory_space<hbm>>
      %dma_wait3A_87 = tpu.memref_squeeze %dma_wait3A_86 : memref<1x3144xf32, #tpu.memory_space<hbm>> -> memref<3144xf32, #tpu.memory_space<hbm>>
      tpu.wait_dma2 semaphore(%run_scoped3A_69 : memref<!tpu.dma_semaphore, #tpu.memory_space<semaphore_mem>>) src(%dma_wait3A_87 : memref<3144xf32, #tpu.memory_space<hbm>>) dst(%dma_wait3A_85 : memref<3144xf32, #tpu.memory_space<vmem>>)
      tpu.yield
    }) : () -> ()
    "tpu.region"() ({
      %run_scoped3A_69 = tpu.sem_alloc : memref<!tpu.dma_semaphore, #tpu.memory_space<semaphore_mem>>
      %dma_start3A = tpu.memref_slice %arg3[%min3A_21] : memref<100000xi32, #tpu.memory_space<hbm>> -> memref<3144xi32, #tpu.memory_space<hbm>>
      %dma_start3A_70 = tpu.memref_slice %arg3[%min3A_21] : memref<100000xi32, #tpu.memory_space<hbm>> -> memref<3144xi32, #tpu.memory_space<hbm>>
      tpu.enqueue_dma source(%dma_start3A_70 : memref<3144xi32, #tpu.memory_space<hbm>>) target(%arg6 : memref<3144xi32, #tpu.memory_space<vmem>>) target_semaphore(%run_scoped3A_69 : memref<!tpu.dma_semaphore, #tpu.memory_space<semaphore_mem>>)
      %dma_wait3A = tpu.memref_slice %arg3[%min3A_21] : memref<100000xi32, #tpu.memory_space<hbm>> -> memref<3144xi32, #tpu.memory_space<hbm>>
      %dma_wait3A_71 = tpu.memref_slice %arg3[%min3A_21] : memref<100000xi32, #tpu.memory_space<hbm>> -> memref<3144xi32, #tpu.memory_space<hbm>>
      tpu.wait_dma2 semaphore(%run_scoped3A_69 : memref<!tpu.dma_semaphore, #tpu.memory_space<semaphore_mem>>) src(%dma_wait3A_71 : memref<3144xi32, #tpu.memory_space<hbm>>) dst(%arg6 : memref<3144xi32, #tpu.memory_space<vmem>>)
      tpu.yield
    }) : () -> ()
    %broadcast_in_dim3A = arith.constant 0.000000e+00 : f32
    %broadcast_in_dim3A_36 = vector.broadcast %broadcast_in_dim3A : f32 to vector<16xf32>
    %parallel_loop3A = arith.constant 0 : i32
    %parallel_loop3A_37 = arith.constant 512 : i32
    %parallel_loop3A_38 = arith.constant 1 : i32
    scf.for %parallel_loop3A_69 = %parallel_loop3A to %parallel_loop3A_37 step %parallel_loop3A_38  : i32 {
      %parallel_loop3A_70 = arith.constant 16 : i32
      %parallel_loop3A_71 = arith.muli %parallel_loop3A_69, %parallel_loop3A_70 : i32
      %parallel_loop3A_72 = arith.index_cast %parallel_loop3A_71 : i32 to index
      %parallel_loop3A_73 = tpu.vector_load %arg7[%parallel_loop3A_72] {strides = array<i32>} : memref<8192xf32, #tpu.memory_space<vmem>>, vector<16xf32>,
      tpu.vector_store %arg7[%parallel_loop3A_72], %broadcast_in_dim3A_36 {strides = array<i32>} : memref<8192xf32, #tpu.memory_space<vmem>>, vector<16xf32>,
    } {sc.loop_unroll_factor = 8 : i64, sc.parallel_access}
    %iota3A = tpu.iota {dimensions = array<i32: 0>} : vector<16xi32>
    %mul3A_39 = arith.constant 196 : i32
    %mul3A_40 = vector.broadcast %mul3A_39 : i32 to vector<16xi32>
    %mul3A_41 = arith.muli %iota3A, %mul3A_40 : vector<16xi32>
    %broadcast_in_dim3A_42 = arith.constant 1.000000e+00 : f32
    %broadcast_in_dim3A_43 = vector.broadcast %broadcast_in_dim3A_42 : f32 to vector<16xf32>
    %broadcast_in_dim3A_44 = arith.constant 0 : i32
    %broadcast_in_dim3A_45 = vector.broadcast %broadcast_in_dim3A_44 : i32 to vector<16xi32>
    %broadcast_in_dim3A_46 = arith.constant 1 : i32
    %broadcast_in_dim3A_47 = vector.broadcast %broadcast_in_dim3A_46 : i32 to vector<16xi32>
    %broadcast_in_dim3A_48 = arith.constant 2 : i32
    %broadcast_in_dim3A_49 = vector.broadcast %broadcast_in_dim3A_48 : i32 to vector<16xi32>
    %broadcast_in_dim3A_50 = arith.constant 3 : i32
    %broadcast_in_dim3A_51 = vector.broadcast %broadcast_in_dim3A_50 : i32 to vector<16xi32>
    %broadcast_in_dim3A_52 = arith.constant 4 : i32
    %broadcast_in_dim3A_53 = vector.broadcast %broadcast_in_dim3A_52 : i32 to vector<16xi32>
    %broadcast_in_dim3A_54 = arith.constant 5 : i32
    %broadcast_in_dim3A_55 = vector.broadcast %broadcast_in_dim3A_54 : i32 to vector<16xi32>
    %broadcast_in_dim3A_56 = arith.constant 6 : i32
    %broadcast_in_dim3A_57 = vector.broadcast %broadcast_in_dim3A_56 : i32 to vector<16xi32>
    %parallel_loop3A_58 = arith.constant 0 : i32
    %parallel_loop3A_59 = arith.constant 98 : i32
    %parallel_loop3A_60 = arith.constant 1 : i32
    scf.for %parallel_loop3A_69 = %parallel_loop3A_58 to %parallel_loop3A_59 step %parallel_loop3A_60  : i32 {
      %parallel_loop3A_70 = vector.broadcast %parallel_loop3A_69 : i32 to vector<16xi32>
      %parallel_loop3A_71 = arith.addi %mul3A_41, %parallel_loop3A_70 : vector<16xi32>
      %parallel_loop3A_72 = arith.constant 3125 : i32
      %parallel_loop3A_73 = vector.broadcast %parallel_loop3A_72 : i32 to vector<16xi32>
      %parallel_loop3A_74 = arith.cmpi slt, %parallel_loop3A_71, %parallel_loop3A_73 : vector<16xi32>
      %parallel_loop3A_75 = arith.constant 3124 : i32
      %parallel_loop3A_76 = vector.broadcast %parallel_loop3A_75 : i32 to vector<16xi32>
      %parallel_loop3A_77 = arith.minsi %parallel_loop3A_71, %parallel_loop3A_76 : vector<16xi32>
      %parallel_loop3A_78 = vector.broadcast %sub3A_22 : i32 to vector<16xi32>
      %parallel_loop3A_79 = arith.addi %parallel_loop3A_77, %parallel_loop3A_78 : vector<16xi32>
      %parallel_loop3A_80 = tpu.vector_load_idx %arg6[%parallel_loop3A_79] masked %parallel_loop3A_74 : memref<3144xi32, #tpu.memory_space<vmem>>[vector<16xi32>], vector<16xi32>, vector<16xi1>
      %parallel_loop3A_81 = arith.constant 7168 : i32
      %parallel_loop3A_82 = vector.broadcast %parallel_loop3A_81 : i32 to vector<16xi32>
      %parallel_loop3A_83 = arith.addi %parallel_loop3A_80, %parallel_loop3A_82 : vector<16xi32>
      tpu.vector_store_idx %arg7[%parallel_loop3A_83], %broadcast_in_dim3A_43 masked %parallel_loop3A_74 {add = true} : memref<8192xf32, #tpu.memory_space<vmem>>[vector<16xi32>], vector<16xf32>, vector<16xi1>
      %parallel_loop3A_84 = tpu.vector_load_idx %arg5[%broadcast_in_dim3A_45, %parallel_loop3A_79] masked %parallel_loop3A_74 : memref<7x3144xf32, #tpu.memory_space<vmem>>[vector<16xi32>, vector<16xi32>], vector<16xf32>, vector<16xi1>
      %parallel_loop3A_85 = arith.constant 0 : i32
      %parallel_loop3A_86 = vector.broadcast %parallel_loop3A_85 : i32 to vector<16xi32>
      %parallel_loop3A_87 = arith.addi %parallel_loop3A_80, %parallel_loop3A_86 : vector<16xi32>
      tpu.vector_store_idx %arg7[%parallel_loop3A_87], %parallel_loop3A_84 masked %parallel_loop3A_74 {add = true} : memref<8192xf32, #tpu.memory_space<vmem>>[vector<16xi32>], vector<16xf32>, vector<16xi1>
      %parallel_loop3A_88 = tpu.vector_load_idx %arg5[%broadcast_in_dim3A_47, %parallel_loop3A_79] masked %parallel_loop3A_74 : memref<7x3144xf32, #tpu.memory_space<vmem>>[vector<16xi32>, vector<16xi32>], vector<16xf32>, vector<16xi1>
      %parallel_loop3A_89 = arith.constant 1024 : i32
      %parallel_loop3A_90 = vector.broadcast %parallel_loop3A_89 : i32 to vector<16xi32>
      %parallel_loop3A_91 = arith.addi %parallel_loop3A_80, %parallel_loop3A_90 : vector<16xi32>
      tpu.vector_store_idx %arg7[%parallel_loop3A_91], %parallel_loop3A_88 masked %parallel_loop3A_74 {add = true} : memref<8192xf32, #tpu.memory_space<vmem>>[vector<16xi32>], vector<16xf32>, vector<16xi1>
      %parallel_loop3A_92 = tpu.vector_load_idx %arg5[%broadcast_in_dim3A_49, %parallel_loop3A_79] masked %parallel_loop3A_74 : memref<7x3144xf32, #tpu.memory_space<vmem>>[vector<16xi32>, vector<16xi32>], vector<16xf32>, vector<16xi1>
      %parallel_loop3A_93 = arith.constant 2048 : i32
      %parallel_loop3A_94 = vector.broadcast %parallel_loop3A_93 : i32 to vector<16xi32>
      %parallel_loop3A_95 = arith.addi %parallel_loop3A_80, %parallel_loop3A_94 : vector<16xi32>
      tpu.vector_store_idx %arg7[%parallel_loop3A_95], %parallel_loop3A_92 masked %parallel_loop3A_74 {add = true} : memref<8192xf32, #tpu.memory_space<vmem>>[vector<16xi32>], vector<16xf32>, vector<16xi1>
      %parallel_loop3A_96 = tpu.vector_load_idx %arg5[%broadcast_in_dim3A_51, %parallel_loop3A_79] masked %parallel_loop3A_74 : memref<7x3144xf32, #tpu.memory_space<vmem>>[vector<16xi32>, vector<16xi32>], vector<16xf32>, vector<16xi1>
      %parallel_loop3A_97 = arith.constant 3072 : i32
      %parallel_loop3A_98 = vector.broadcast %parallel_loop3A_97 : i32 to vector<16xi32>
      %parallel_loop3A_99 = arith.addi %parallel_loop3A_80, %parallel_loop3A_98 : vector<16xi32>
      tpu.vector_store_idx %arg7[%parallel_loop3A_99], %parallel_loop3A_96 masked %parallel_loop3A_74 {add = true} : memref<8192xf32, #tpu.memory_space<vmem>>[vector<16xi32>], vector<16xf32>, vector<16xi1>
      %parallel_loop3A_100 = tpu.vector_load_idx %arg5[%broadcast_in_dim3A_53, %parallel_loop3A_79] masked %parallel_loop3A_74 : memref<7x3144xf32, #tpu.memory_space<vmem>>[vector<16xi32>, vector<16xi32>], vector<16xf32>, vector<16xi1>
      %parallel_loop3A_101 = arith.constant 4096 : i32
      %parallel_loop3A_102 = vector.broadcast %parallel_loop3A_101 : i32 to vector<16xi32>
      %parallel_loop3A_103 = arith.addi %parallel_loop3A_80, %parallel_loop3A_102 : vector<16xi32>
      tpu.vector_store_idx %arg7[%parallel_loop3A_103], %parallel_loop3A_100 masked %parallel_loop3A_74 {add = true} : memref<8192xf32, #tpu.memory_space<vmem>>[vector<16xi32>], vector<16xf32>, vector<16xi1>
      %parallel_loop3A_104 = tpu.vector_load_idx %arg5[%broadcast_in_dim3A_55, %parallel_loop3A_79] masked %parallel_loop3A_74 : memref<7x3144xf32, #tpu.memory_space<vmem>>[vector<16xi32>, vector<16xi32>], vector<16xf32>, vector<16xi1>
      %parallel_loop3A_105 = arith.constant 5120 : i32
      %parallel_loop3A_106 = vector.broadcast %parallel_loop3A_105 : i32 to vector<16xi32>
      %parallel_loop3A_107 = arith.addi %parallel_loop3A_80, %parallel_loop3A_106 : vector<16xi32>
      tpu.vector_store_idx %arg7[%parallel_loop3A_107], %parallel_loop3A_104 masked %parallel_loop3A_74 {add = true} : memref<8192xf32, #tpu.memory_space<vmem>>[vector<16xi32>], vector<16xf32>, vector<16xi1>
      %parallel_loop3A_108 = tpu.vector_load_idx %arg5[%broadcast_in_dim3A_57, %parallel_loop3A_79] masked %parallel_loop3A_74 : memref<7x3144xf32, #tpu.memory_space<vmem>>[vector<16xi32>, vector<16xi32>], vector<16xf32>, vector<16xi1>
      %parallel_loop3A_109 = arith.constant 6144 : i32
      %parallel_loop3A_110 = vector.broadcast %parallel_loop3A_109 : i32 to vector<16xi32>
      %parallel_loop3A_111 = arith.addi %parallel_loop3A_80, %parallel_loop3A_110 : vector<16xi32>
      tpu.vector_store_idx %arg7[%parallel_loop3A_111], %parallel_loop3A_108 masked %parallel_loop3A_74 {add = true} : memref<8192xf32, #tpu.memory_space<vmem>>[vector<16xi32>], vector<16xf32>, vector<16xi1>
      %parallel_loop3A_112 = arith.constant 98 : i32
      %parallel_loop3A_113 = arith.addi %parallel_loop3A_69, %parallel_loop3A_112 : i32
      %parallel_loop3A_114 = vector.broadcast %parallel_loop3A_113 : i32 to vector<16xi32>
      %parallel_loop3A_115 = arith.addi %mul3A_41, %parallel_loop3A_114 : vector<16xi32>
      %parallel_loop3A_116 = arith.constant 3125 : i32
      %parallel_loop3A_117 = vector.broadcast %parallel_loop3A_116 : i32 to vector<16xi32>
      %parallel_loop3A_118 = arith.cmpi slt, %parallel_loop3A_115, %parallel_loop3A_117 : vector<16xi32>
      %parallel_loop3A_119 = arith.constant 3124 : i32
      %parallel_loop3A_120 = vector.broadcast %parallel_loop3A_119 : i32 to vector<16xi32>
      %parallel_loop3A_121 = arith.minsi %parallel_loop3A_115, %parallel_loop3A_120 : vector<16xi32>
      %parallel_loop3A_122 = vector.broadcast %sub3A_22 : i32 to vector<16xi32>
      %parallel_loop3A_123 = arith.addi %parallel_loop3A_121, %parallel_loop3A_122 : vector<16xi32>
      %parallel_loop3A_124 = tpu.vector_load_idx %arg6[%parallel_loop3A_123] masked %parallel_loop3A_118 : memref<3144xi32, #tpu.memory_space<vmem>>[vector<16xi32>], vector<16xi32>, vector<16xi1>
      %parallel_loop3A_125 = arith.constant 7168 : i32
      %parallel_loop3A_126 = vector.broadcast %parallel_loop3A_125 : i32 to vector<16xi32>
      %parallel_loop3A_127 = arith.addi %parallel_loop3A_124, %parallel_loop3A_126 : vector<16xi32>
      tpu.vector_store_idx %arg7[%parallel_loop3A_127], %broadcast_in_dim3A_43 masked %parallel_loop3A_118 {add = true} : memref<8192xf32, #tpu.memory_space<vmem>>[vector<16xi32>], vector<16xf32>, vector<16xi1>
      %parallel_loop3A_128 = tpu.vector_load_idx %arg5[%broadcast_in_dim3A_45, %parallel_loop3A_123] masked %parallel_loop3A_118 : memref<7x3144xf32, #tpu.memory_space<vmem>>[vector<16xi32>, vector<16xi32>], vector<16xf32>, vector<16xi1>
      %parallel_loop3A_129 = arith.constant 0 : i32
      %parallel_loop3A_130 = vector.broadcast %parallel_loop3A_129 : i32 to vector<16xi32>
      %parallel_loop3A_131 = arith.addi %parallel_loop3A_124, %parallel_loop3A_130 : vector<16xi32>
      tpu.vector_store_idx %arg7[%parallel_loop3A_131], %parallel_loop3A_128 masked %parallel_loop3A_118 {add = true} : memref<8192xf32, #tpu.memory_space<vmem>>[vector<16xi32>], vector<16xf32>, vector<16xi1>
      %parallel_loop3A_132 = tpu.vector_load_idx %arg5[%broadcast_in_dim3A_47, %parallel_loop3A_123] masked %parallel_loop3A_118 : memref<7x3144xf32, #tpu.memory_space<vmem>>[vector<16xi32>, vector<16xi32>], vector<16xf32>, vector<16xi1>
      %parallel_loop3A_133 = arith.constant 1024 : i32
      %parallel_loop3A_134 = vector.broadcast %parallel_loop3A_133 : i32 to vector<16xi32>
      %parallel_loop3A_135 = arith.addi %parallel_loop3A_124, %parallel_loop3A_134 : vector<16xi32>
      tpu.vector_store_idx %arg7[%parallel_loop3A_135], %parallel_loop3A_132 masked %parallel_loop3A_118 {add = true} : memref<8192xf32, #tpu.memory_space<vmem>>[vector<16xi32>], vector<16xf32>, vector<16xi1>
      %parallel_loop3A_136 = tpu.vector_load_idx %arg5[%broadcast_in_dim3A_49, %parallel_loop3A_123] masked %parallel_loop3A_118 : memref<7x3144xf32, #tpu.memory_space<vmem>>[vector<16xi32>, vector<16xi32>], vector<16xf32>, vector<16xi1>
      %parallel_loop3A_137 = arith.constant 2048 : i32
      %parallel_loop3A_138 = vector.broadcast %parallel_loop3A_137 : i32 to vector<16xi32>
      %parallel_loop3A_139 = arith.addi %parallel_loop3A_124, %parallel_loop3A_138 : vector<16xi32>
      tpu.vector_store_idx %arg7[%parallel_loop3A_139], %parallel_loop3A_136 masked %parallel_loop3A_118 {add = true} : memref<8192xf32, #tpu.memory_space<vmem>>[vector<16xi32>], vector<16xf32>, vector<16xi1>
      %parallel_loop3A_140 = tpu.vector_load_idx %arg5[%broadcast_in_dim3A_51, %parallel_loop3A_123] masked %parallel_loop3A_118 : memref<7x3144xf32, #tpu.memory_space<vmem>>[vector<16xi32>, vector<16xi32>], vector<16xf32>, vector<16xi1>
      %parallel_loop3A_141 = arith.constant 3072 : i32
      %parallel_loop3A_142 = vector.broadcast %parallel_loop3A_141 : i32 to vector<16xi32>
      %parallel_loop3A_143 = arith.addi %parallel_loop3A_124, %parallel_loop3A_142 : vector<16xi32>
      tpu.vector_store_idx %arg7[%parallel_loop3A_143], %parallel_loop3A_140 masked %parallel_loop3A_118 {add = true} : memref<8192xf32, #tpu.memory_space<vmem>>[vector<16xi32>], vector<16xf32>, vector<16xi1>
      %parallel_loop3A_144 = tpu.vector_load_idx %arg5[%broadcast_in_dim3A_53, %parallel_loop3A_123] masked %parallel_loop3A_118 : memref<7x3144xf32, #tpu.memory_space<vmem>>[vector<16xi32>, vector<16xi32>], vector<16xf32>, vector<16xi1>
      %parallel_loop3A_145 = arith.constant 4096 : i32
      %parallel_loop3A_146 = vector.broadcast %parallel_loop3A_145 : i32 to vector<16xi32>
      %parallel_loop3A_147 = arith.addi %parallel_loop3A_124, %parallel_loop3A_146 : vector<16xi32>
      tpu.vector_store_idx %arg7[%parallel_loop3A_147], %parallel_loop3A_144 masked %parallel_loop3A_118 {add = true} : memref<8192xf32, #tpu.memory_space<vmem>>[vector<16xi32>], vector<16xf32>, vector<16xi1>
      %parallel_loop3A_148 = tpu.vector_load_idx %arg5[%broadcast_in_dim3A_55, %parallel_loop3A_123] masked %parallel_loop3A_118 : memref<7x3144xf32, #tpu.memory_space<vmem>>[vector<16xi32>, vector<16xi32>], vector<16xf32>, vector<16xi1>
      %parallel_loop3A_149 = arith.constant 5120 : i32
      %parallel_loop3A_150 = vector.broadcast %parallel_loop3A_149 : i32 to vector<16xi32>
      %parallel_loop3A_151 = arith.addi %parallel_loop3A_124, %parallel_loop3A_150 : vector<16xi32>
      tpu.vector_store_idx %arg7[%parallel_loop3A_151], %parallel_loop3A_148 masked %parallel_loop3A_118 {add = true} : memref<8192xf32, #tpu.memory_space<vmem>>[vector<16xi32>], vector<16xf32>, vector<16xi1>
      %parallel_loop3A_152 = tpu.vector_load_idx %arg5[%broadcast_in_dim3A_57, %parallel_loop3A_123] masked %parallel_loop3A_118 : memref<7x3144xf32, #tpu.memory_space<vmem>>[vector<16xi32>, vector<16xi32>], vector<16xf32>, vector<16xi1>
      %parallel_loop3A_153 = arith.constant 6144 : i32
      %parallel_loop3A_154 = vector.broadcast %parallel_loop3A_153 : i32 to vector<16xi32>
      %parallel_loop3A_155 = arith.addi %parallel_loop3A_124, %parallel_loop3A_154 : vector<16xi32>
      tpu.vector_store_idx %arg7[%parallel_loop3A_155], %parallel_loop3A_152 masked %parallel_loop3A_118 {add = true} : memref<8192xf32, #tpu.memory_space<vmem>>[vector<16xi32>], vector<16xf32>, vector<16xi1>
    } {sc.loop_unroll_factor = 2 : i64, sc.parallel_access}
    %run_scoped3A_61 = arith.constant 0 : i32
    "tpu.region"() ({
      %run_scoped3A_69 = tpu.sem_alloc : memref<!tpu.dma_semaphore, #tpu.memory_space<semaphore_mem>>
      %dma_start3A = arith.constant 0 : i32
      %dma_start3A_70 = tpu.memref_slice %arg7[%dma_start3A] : memref<8192xf32, #tpu.memory_space<vmem>> -> memref<1024xf32, #tpu.memory_space<vmem>>
      %dma_start3A_71 = arith.constant 0 : i32
      %dma_start3A_72 = tpu.memref_slice %arg4[%add3A, %run_scoped3A_61, %dma_start3A_71] : memref<32x8x1024xf32, #tpu.memory_space<hbm>> -> memref<1x1x1024xf32, #tpu.memory_space<hbm>>
      %dma_start3A_73 = tpu.memref_squeeze %dma_start3A_72 : memref<1x1x1024xf32, #tpu.memory_space<hbm>> -> memref<1024xf32, #tpu.memory_space<hbm>>
      %dma_start3A_74 = arith.constant 0 : i32
      %dma_start3A_75 = tpu.memref_slice %arg4[%add3A, %run_scoped3A_61, %dma_start3A_74] : memref<32x8x1024xf32, #tpu.memory_space<hbm>> -> memref<1x1x1024xf32, #tpu.memory_space<hbm>>
      %dma_start3A_76 = tpu.memref_squeeze %dma_start3A_75 : memref<1x1x1024xf32, #tpu.memory_space<hbm>> -> memref<1024xf32, #tpu.memory_space<hbm>>
      %dma_start3A_77 = arith.constant 0 : i32
      %dma_start3A_78 = tpu.memref_slice %arg7[%dma_start3A_77] : memref<8192xf32, #tpu.memory_space<vmem>> -> memref<1024xf32, #tpu.memory_space<vmem>>
      tpu.enqueue_dma source(%dma_start3A_78 : memref<1024xf32, #tpu.memory_space<vmem>>) target(%dma_start3A_76 : memref<1024xf32, #tpu.memory_space<hbm>>) target_semaphore(%run_scoped3A_69 : memref<!tpu.dma_semaphore, #tpu.memory_space<semaphore_mem>>)
      %dma_wait3A = arith.constant 0 : i32
      %dma_wait3A_79 = tpu.memref_slice %arg7[%dma_wait3A] : memref<8192xf32, #tpu.memory_space<vmem>> -> memref<1024xf32, #tpu.memory_space<vmem>>
      %dma_wait3A_80 = arith.constant 0 : i32
      %dma_wait3A_81 = tpu.memref_slice %arg4[%add3A, %run_scoped3A_61, %dma_wait3A_80] : memref<32x8x1024xf32, #tpu.memory_space<hbm>> -> memref<1x1x1024xf32, #tpu.memory_space<hbm>>
      %dma_wait3A_82 = tpu.memref_squeeze %dma_wait3A_81 : memref<1x1x1024xf32, #tpu.memory_space<hbm>> -> memref<1024xf32, #tpu.memory_space<hbm>>
      %dma_wait3A_83 = arith.constant 0 : i32
      %dma_wait3A_84 = tpu.memref_slice %arg4[%add3A, %run_scoped3A_61, %dma_wait3A_83] : memref<32x8x1024xf32, #tpu.memory_space<hbm>> -> memref<1x1x1024xf32, #tpu.memory_space<hbm>>
      %dma_wait3A_85 = tpu.memref_squeeze %dma_wait3A_84 : memref<1x1x1024xf32, #tpu.memory_space<hbm>> -> memref<1024xf32, #tpu.memory_space<hbm>>
      %dma_wait3A_86 = arith.constant 0 : i32
      %dma_wait3A_87 = tpu.memref_slice %arg7[%dma_wait3A_86] : memref<8192xf32, #tpu.memory_space<vmem>> -> memref<1024xf32, #tpu.memory_space<vmem>>
      tpu.wait_dma2 semaphore(%run_scoped3A_69 : memref<!tpu.dma_semaphore, #tpu.memory_space<semaphore_mem>>) src(%dma_wait3A_87 : memref<1024xf32, #tpu.memory_space<vmem>>) dst(%dma_wait3A_85 : memref<1024xf32, #tpu.memory_space<hbm>>)
      tpu.yield
    }) : () -> ()
    %run_scoped3A_62 = arith.constant 1 : i32
    "tpu.region"() ({
      %run_scoped3A_69 = tpu.sem_alloc : memref<!tpu.dma_semaphore, #tpu.memory_space<semaphore_mem>>
      %dma_start3A = arith.constant 1024 : i32
      %dma_start3A_70 = tpu.memref_slice %arg7[%dma_start3A] : memref<8192xf32, #tpu.memory_space<vmem>> -> memref<1024xf32, #tpu.memory_space<vmem>>
      %dma_start3A_71 = arith.constant 0 : i32
      %dma_start3A_72 = tpu.memref_slice %arg4[%add3A, %run_scoped3A_62, %dma_start3A_71] : memref<32x8x1024xf32, #tpu.memory_space<hbm>> -> memref<1x1x1024xf32, #tpu.memory_space<hbm>>
      %dma_start3A_73 = tpu.memref_squeeze %dma_start3A_72 : memref<1x1x1024xf32, #tpu.memory_space<hbm>> -> memref<1024xf32, #tpu.memory_space<hbm>>
      %dma_start3A_74 = arith.constant 0 : i32
      %dma_start3A_75 = tpu.memref_slice %arg4[%add3A, %run_scoped3A_62, %dma_start3A_74] : memref<32x8x1024xf32, #tpu.memory_space<hbm>> -> memref<1x1x1024xf32, #tpu.memory_space<hbm>>
      %dma_start3A_76 = tpu.memref_squeeze %dma_start3A_75 : memref<1x1x1024xf32, #tpu.memory_space<hbm>> -> memref<1024xf32, #tpu.memory_space<hbm>>
      %dma_start3A_77 = arith.constant 1024 : i32
      %dma_start3A_78 = tpu.memref_slice %arg7[%dma_start3A_77] : memref<8192xf32, #tpu.memory_space<vmem>> -> memref<1024xf32, #tpu.memory_space<vmem>>
      tpu.enqueue_dma source(%dma_start3A_78 : memref<1024xf32, #tpu.memory_space<vmem>>) target(%dma_start3A_76 : memref<1024xf32, #tpu.memory_space<hbm>>) target_semaphore(%run_scoped3A_69 : memref<!tpu.dma_semaphore, #tpu.memory_space<semaphore_mem>>)
      %dma_wait3A = arith.constant 1024 : i32
      %dma_wait3A_79 = tpu.memref_slice %arg7[%dma_wait3A] : memref<8192xf32, #tpu.memory_space<vmem>> -> memref<1024xf32, #tpu.memory_space<vmem>>
      %dma_wait3A_80 = arith.constant 0 : i32
      %dma_wait3A_81 = tpu.memref_slice %arg4[%add3A, %run_scoped3A_62, %dma_wait3A_80] : memref<32x8x1024xf32, #tpu.memory_space<hbm>> -> memref<1x1x1024xf32, #tpu.memory_space<hbm>>
      %dma_wait3A_82 = tpu.memref_squeeze %dma_wait3A_81 : memref<1x1x1024xf32, #tpu.memory_space<hbm>> -> memref<1024xf32, #tpu.memory_space<hbm>>
      %dma_wait3A_83 = arith.constant 0 : i32
      %dma_wait3A_84 = tpu.memref_slice %arg4[%add3A, %run_scoped3A_62, %dma_wait3A_83] : memref<32x8x1024xf32, #tpu.memory_space<hbm>> -> memref<1x1x1024xf32, #tpu.memory_space<hbm>>
      %dma_wait3A_85 = tpu.memref_squeeze %dma_wait3A_84 : memref<1x1x1024xf32, #tpu.memory_space<hbm>> -> memref<1024xf32, #tpu.memory_space<hbm>>
      %dma_wait3A_86 = arith.constant 1024 : i32
      %dma_wait3A_87 = tpu.memref_slice %arg7[%dma_wait3A_86] : memref<8192xf32, #tpu.memory_space<vmem>> -> memref<1024xf32, #tpu.memory_space<vmem>>
      tpu.wait_dma2 semaphore(%run_scoped3A_69 : memref<!tpu.dma_semaphore, #tpu.memory_space<semaphore_mem>>) src(%dma_wait3A_87 : memref<1024xf32, #tpu.memory_space<vmem>>) dst(%dma_wait3A_85 : memref<1024xf32, #tpu.memory_space<hbm>>)
      tpu.yield
    }) : () -> ()
    %run_scoped3A_63 = arith.constant 2 : i32
    "tpu.region"() ({
      %run_scoped3A_69 = tpu.sem_alloc : memref<!tpu.dma_semaphore, #tpu.memory_space<semaphore_mem>>
      %dma_start3A = arith.constant 2048 : i32
      %dma_start3A_70 = tpu.memref_slice %arg7[%dma_start3A] : memref<8192xf32, #tpu.memory_space<vmem>> -> memref<1024xf32, #tpu.memory_space<vmem>>
      %dma_start3A_71 = arith.constant 0 : i32
      %dma_start3A_72 = tpu.memref_slice %arg4[%add3A, %run_scoped3A_63, %dma_start3A_71] : memref<32x8x1024xf32, #tpu.memory_space<hbm>> -> memref<1x1x1024xf32, #tpu.memory_space<hbm>>
      %dma_start3A_73 = tpu.memref_squeeze %dma_start3A_72 : memref<1x1x1024xf32, #tpu.memory_space<hbm>> -> memref<1024xf32, #tpu.memory_space<hbm>>
      %dma_start3A_74 = arith.constant 0 : i32
      %dma_start3A_75 = tpu.memref_slice %arg4[%add3A, %run_scoped3A_63, %dma_start3A_74] : memref<32x8x1024xf32, #tpu.memory_space<hbm>> -> memref<1x1x1024xf32, #tpu.memory_space<hbm>>
      %dma_start3A_76 = tpu.memref_squeeze %dma_start3A_75 : memref<1x1x1024xf32, #tpu.memory_space<hbm>> -> memref<1024xf32, #tpu.memory_space<hbm>>
      %dma_start3A_77 = arith.constant 2048 : i32
      %dma_start3A_78 = tpu.memref_slice %arg7[%dma_start3A_77] : memref<8192xf32, #tpu.memory_space<vmem>> -> memref<1024xf32, #tpu.memory_space<vmem>>
      tpu.enqueue_dma source(%dma_start3A_78 : memref<1024xf32, #tpu.memory_space<vmem>>) target(%dma_start3A_76 : memref<1024xf32, #tpu.memory_space<hbm>>) target_semaphore(%run_scoped3A_69 : memref<!tpu.dma_semaphore, #tpu.memory_space<semaphore_mem>>)
      %dma_wait3A = arith.constant 2048 : i32
      %dma_wait3A_79 = tpu.memref_slice %arg7[%dma_wait3A] : memref<8192xf32, #tpu.memory_space<vmem>> -> memref<1024xf32, #tpu.memory_space<vmem>>
      %dma_wait3A_80 = arith.constant 0 : i32
      %dma_wait3A_81 = tpu.memref_slice %arg4[%add3A, %run_scoped3A_63, %dma_wait3A_80] : memref<32x8x1024xf32, #tpu.memory_space<hbm>> -> memref<1x1x1024xf32, #tpu.memory_space<hbm>>
      %dma_wait3A_82 = tpu.memref_squeeze %dma_wait3A_81 : memref<1x1x1024xf32, #tpu.memory_space<hbm>> -> memref<1024xf32, #tpu.memory_space<hbm>>
      %dma_wait3A_83 = arith.constant 0 : i32
      %dma_wait3A_84 = tpu.memref_slice %arg4[%add3A, %run_scoped3A_63, %dma_wait3A_83] : memref<32x8x1024xf32, #tpu.memory_space<hbm>> -> memref<1x1x1024xf32, #tpu.memory_space<hbm>>
      %dma_wait3A_85 = tpu.memref_squeeze %dma_wait3A_84 : memref<1x1x1024xf32, #tpu.memory_space<hbm>> -> memref<1024xf32, #tpu.memory_space<hbm>>
      %dma_wait3A_86 = arith.constant 2048 : i32
      %dma_wait3A_87 = tpu.memref_slice %arg7[%dma_wait3A_86] : memref<8192xf32, #tpu.memory_space<vmem>> -> memref<1024xf32, #tpu.memory_space<vmem>>
      tpu.wait_dma2 semaphore(%run_scoped3A_69 : memref<!tpu.dma_semaphore, #tpu.memory_space<semaphore_mem>>) src(%dma_wait3A_87 : memref<1024xf32, #tpu.memory_space<vmem>>) dst(%dma_wait3A_85 : memref<1024xf32, #tpu.memory_space<hbm>>)
      tpu.yield
    }) : () -> ()
    %run_scoped3A_64 = arith.constant 3 : i32
    "tpu.region"() ({
      %run_scoped3A_69 = tpu.sem_alloc : memref<!tpu.dma_semaphore, #tpu.memory_space<semaphore_mem>>
      %dma_start3A = arith.constant 3072 : i32
      %dma_start3A_70 = tpu.memref_slice %arg7[%dma_start3A] : memref<8192xf32, #tpu.memory_space<vmem>> -> memref<1024xf32, #tpu.memory_space<vmem>>
      %dma_start3A_71 = arith.constant 0 : i32
      %dma_start3A_72 = tpu.memref_slice %arg4[%add3A, %run_scoped3A_64, %dma_start3A_71] : memref<32x8x1024xf32, #tpu.memory_space<hbm>> -> memref<1x1x1024xf32, #tpu.memory_space<hbm>>
      %dma_start3A_73 = tpu.memref_squeeze %dma_start3A_72 : memref<1x1x1024xf32, #tpu.memory_space<hbm>> -> memref<1024xf32, #tpu.memory_space<hbm>>
      %dma_start3A_74 = arith.constant 0 : i32
      %dma_start3A_75 = tpu.memref_slice %arg4[%add3A, %run_scoped3A_64, %dma_start3A_74] : memref<32x8x1024xf32, #tpu.memory_space<hbm>> -> memref<1x1x1024xf32, #tpu.memory_space<hbm>>
      %dma_start3A_76 = tpu.memref_squeeze %dma_start3A_75 : memref<1x1x1024xf32, #tpu.memory_space<hbm>> -> memref<1024xf32, #tpu.memory_space<hbm>>
      %dma_start3A_77 = arith.constant 3072 : i32
      %dma_start3A_78 = tpu.memref_slice %arg7[%dma_start3A_77] : memref<8192xf32, #tpu.memory_space<vmem>> -> memref<1024xf32, #tpu.memory_space<vmem>>
      tpu.enqueue_dma source(%dma_start3A_78 : memref<1024xf32, #tpu.memory_space<vmem>>) target(%dma_start3A_76 : memref<1024xf32, #tpu.memory_space<hbm>>) target_semaphore(%run_scoped3A_69 : memref<!tpu.dma_semaphore, #tpu.memory_space<semaphore_mem>>)
      %dma_wait3A = arith.constant 3072 : i32
      %dma_wait3A_79 = tpu.memref_slice %arg7[%dma_wait3A] : memref<8192xf32, #tpu.memory_space<vmem>> -> memref<1024xf32, #tpu.memory_space<vmem>>
      %dma_wait3A_80 = arith.constant 0 : i32
      %dma_wait3A_81 = tpu.memref_slice %arg4[%add3A, %run_scoped3A_64, %dma_wait3A_80] : memref<32x8x1024xf32, #tpu.memory_space<hbm>> -> memref<1x1x1024xf32, #tpu.memory_space<hbm>>
      %dma_wait3A_82 = tpu.memref_squeeze %dma_wait3A_81 : memref<1x1x1024xf32, #tpu.memory_space<hbm>> -> memref<1024xf32, #tpu.memory_space<hbm>>
      %dma_wait3A_83 = arith.constant 0 : i32
      %dma_wait3A_84 = tpu.memref_slice %arg4[%add3A, %run_scoped3A_64, %dma_wait3A_83] : memref<32x8x1024xf32, #tpu.memory_space<hbm>> -> memref<1x1x1024xf32, #tpu.memory_space<hbm>>
      %dma_wait3A_85 = tpu.memref_squeeze %dma_wait3A_84 : memref<1x1x1024xf32, #tpu.memory_space<hbm>> -> memref<1024xf32, #tpu.memory_space<hbm>>
      %dma_wait3A_86 = arith.constant 3072 : i32
      %dma_wait3A_87 = tpu.memref_slice %arg7[%dma_wait3A_86] : memref<8192xf32, #tpu.memory_space<vmem>> -> memref<1024xf32, #tpu.memory_space<vmem>>
      tpu.wait_dma2 semaphore(%run_scoped3A_69 : memref<!tpu.dma_semaphore, #tpu.memory_space<semaphore_mem>>) src(%dma_wait3A_87 : memref<1024xf32, #tpu.memory_space<vmem>>) dst(%dma_wait3A_85 : memref<1024xf32, #tpu.memory_space<hbm>>)
      tpu.yield
    }) : () -> ()
    %run_scoped3A_65 = arith.constant 4 : i32
    "tpu.region"() ({
      %run_scoped3A_69 = tpu.sem_alloc : memref<!tpu.dma_semaphore, #tpu.memory_space<semaphore_mem>>
      %dma_start3A = arith.constant 4096 : i32
      %dma_start3A_70 = tpu.memref_slice %arg7[%dma_start3A] : memref<8192xf32, #tpu.memory_space<vmem>> -> memref<1024xf32, #tpu.memory_space<vmem>>
      %dma_start3A_71 = arith.constant 0 : i32
      %dma_start3A_72 = tpu.memref_slice %arg4[%add3A, %run_scoped3A_65, %dma_start3A_71] : memref<32x8x1024xf32, #tpu.memory_space<hbm>> -> memref<1x1x1024xf32, #tpu.memory_space<hbm>>
      %dma_start3A_73 = tpu.memref_squeeze %dma_start3A_72 : memref<1x1x1024xf32, #tpu.memory_space<hbm>> -> memref<1024xf32, #tpu.memory_space<hbm>>
      %dma_start3A_74 = arith.constant 0 : i32
      %dma_start3A_75 = tpu.memref_slice %arg4[%add3A, %run_scoped3A_65, %dma_start3A_74] : memref<32x8x1024xf32, #tpu.memory_space<hbm>> -> memref<1x1x1024xf32, #tpu.memory_space<hbm>>
      %dma_start3A_76 = tpu.memref_squeeze %dma_start3A_75 : memref<1x1x1024xf32, #tpu.memory_space<hbm>> -> memref<1024xf32, #tpu.memory_space<hbm>>
      %dma_start3A_77 = arith.constant 4096 : i32
      %dma_start3A_78 = tpu.memref_slice %arg7[%dma_start3A_77] : memref<8192xf32, #tpu.memory_space<vmem>> -> memref<1024xf32, #tpu.memory_space<vmem>>
      tpu.enqueue_dma source(%dma_start3A_78 : memref<1024xf32, #tpu.memory_space<vmem>>) target(%dma_start3A_76 : memref<1024xf32, #tpu.memory_space<hbm>>) target_semaphore(%run_scoped3A_69 : memref<!tpu.dma_semaphore, #tpu.memory_space<semaphore_mem>>)
      %dma_wait3A = arith.constant 4096 : i32
      %dma_wait3A_79 = tpu.memref_slice %arg7[%dma_wait3A] : memref<8192xf32, #tpu.memory_space<vmem>> -> memref<1024xf32, #tpu.memory_space<vmem>>
      %dma_wait3A_80 = arith.constant 0 : i32
      %dma_wait3A_81 = tpu.memref_slice %arg4[%add3A, %run_scoped3A_65, %dma_wait3A_80] : memref<32x8x1024xf32, #tpu.memory_space<hbm>> -> memref<1x1x1024xf32, #tpu.memory_space<hbm>>
      %dma_wait3A_82 = tpu.memref_squeeze %dma_wait3A_81 : memref<1x1x1024xf32, #tpu.memory_space<hbm>> -> memref<1024xf32, #tpu.memory_space<hbm>>
      %dma_wait3A_83 = arith.constant 0 : i32
      %dma_wait3A_84 = tpu.memref_slice %arg4[%add3A, %run_scoped3A_65, %dma_wait3A_83] : memref<32x8x1024xf32, #tpu.memory_space<hbm>> -> memref<1x1x1024xf32, #tpu.memory_space<hbm>>
      %dma_wait3A_85 = tpu.memref_squeeze %dma_wait3A_84 : memref<1x1x1024xf32, #tpu.memory_space<hbm>> -> memref<1024xf32, #tpu.memory_space<hbm>>
      %dma_wait3A_86 = arith.constant 4096 : i32
      %dma_wait3A_87 = tpu.memref_slice %arg7[%dma_wait3A_86] : memref<8192xf32, #tpu.memory_space<vmem>> -> memref<1024xf32, #tpu.memory_space<vmem>>
      tpu.wait_dma2 semaphore(%run_scoped3A_69 : memref<!tpu.dma_semaphore, #tpu.memory_space<semaphore_mem>>) src(%dma_wait3A_87 : memref<1024xf32, #tpu.memory_space<vmem>>) dst(%dma_wait3A_85 : memref<1024xf32, #tpu.memory_space<hbm>>)
      tpu.yield
    }) : () -> ()
    %run_scoped3A_66 = arith.constant 5 : i32
    "tpu.region"() ({
      %run_scoped3A_69 = tpu.sem_alloc : memref<!tpu.dma_semaphore, #tpu.memory_space<semaphore_mem>>
      %dma_start3A = arith.constant 5120 : i32
      %dma_start3A_70 = tpu.memref_slice %arg7[%dma_start3A] : memref<8192xf32, #tpu.memory_space<vmem>> -> memref<1024xf32, #tpu.memory_space<vmem>>
      %dma_start3A_71 = arith.constant 0 : i32
      %dma_start3A_72 = tpu.memref_slice %arg4[%add3A, %run_scoped3A_66, %dma_start3A_71] : memref<32x8x1024xf32, #tpu.memory_space<hbm>> -> memref<1x1x1024xf32, #tpu.memory_space<hbm>>
      %dma_start3A_73 = tpu.memref_squeeze %dma_start3A_72 : memref<1x1x1024xf32, #tpu.memory_space<hbm>> -> memref<1024xf32, #tpu.memory_space<hbm>>
      %dma_start3A_74 = arith.constant 0 : i32
      %dma_start3A_75 = tpu.memref_slice %arg4[%add3A, %run_scoped3A_66, %dma_start3A_74] : memref<32x8x1024xf32, #tpu.memory_space<hbm>> -> memref<1x1x1024xf32, #tpu.memory_space<hbm>>
      %dma_start3A_76 = tpu.memref_squeeze %dma_start3A_75 : memref<1x1x1024xf32, #tpu.memory_space<hbm>> -> memref<1024xf32, #tpu.memory_space<hbm>>
      %dma_start3A_77 = arith.constant 5120 : i32
      %dma_start3A_78 = tpu.memref_slice %arg7[%dma_start3A_77] : memref<8192xf32, #tpu.memory_space<vmem>> -> memref<1024xf32, #tpu.memory_space<vmem>>
      tpu.enqueue_dma source(%dma_start3A_78 : memref<1024xf32, #tpu.memory_space<vmem>>) target(%dma_start3A_76 : memref<1024xf32, #tpu.memory_space<hbm>>) target_semaphore(%run_scoped3A_69 : memref<!tpu.dma_semaphore, #tpu.memory_space<semaphore_mem>>)
      %dma_wait3A = arith.constant 5120 : i32
      %dma_wait3A_79 = tpu.memref_slice %arg7[%dma_wait3A] : memref<8192xf32, #tpu.memory_space<vmem>> -> memref<1024xf32, #tpu.memory_space<vmem>>
      %dma_wait3A_80 = arith.constant 0 : i32
      %dma_wait3A_81 = tpu.memref_slice %arg4[%add3A, %run_scoped3A_66, %dma_wait3A_80] : memref<32x8x1024xf32, #tpu.memory_space<hbm>> -> memref<1x1x1024xf32, #tpu.memory_space<hbm>>
      %dma_wait3A_82 = tpu.memref_squeeze %dma_wait3A_81 : memref<1x1x1024xf32, #tpu.memory_space<hbm>> -> memref<1024xf32, #tpu.memory_space<hbm>>
      %dma_wait3A_83 = arith.constant 0 : i32
      %dma_wait3A_84 = tpu.memref_slice %arg4[%add3A, %run_scoped3A_66, %dma_wait3A_83] : memref<32x8x1024xf32, #tpu.memory_space<hbm>> -> memref<1x1x1024xf32, #tpu.memory_space<hbm>>
      %dma_wait3A_85 = tpu.memref_squeeze %dma_wait3A_84 : memref<1x1x1024xf32, #tpu.memory_space<hbm>> -> memref<1024xf32, #tpu.memory_space<hbm>>
      %dma_wait3A_86 = arith.constant 5120 : i32
      %dma_wait3A_87 = tpu.memref_slice %arg7[%dma_wait3A_86] : memref<8192xf32, #tpu.memory_space<vmem>> -> memref<1024xf32, #tpu.memory_space<vmem>>
      tpu.wait_dma2 semaphore(%run_scoped3A_69 : memref<!tpu.dma_semaphore, #tpu.memory_space<semaphore_mem>>) src(%dma_wait3A_87 : memref<1024xf32, #tpu.memory_space<vmem>>) dst(%dma_wait3A_85 : memref<1024xf32, #tpu.memory_space<hbm>>)
      tpu.yield
    }) : () -> ()
    %run_scoped3A_67 = arith.constant 6 : i32
    "tpu.region"() ({
      %run_scoped3A_69 = tpu.sem_alloc : memref<!tpu.dma_semaphore, #tpu.memory_space<semaphore_mem>>
      %dma_start3A = arith.constant 6144 : i32
      %dma_start3A_70 = tpu.memref_slice %arg7[%dma_start3A] : memref<8192xf32, #tpu.memory_space<vmem>> -> memref<1024xf32, #tpu.memory_space<vmem>>
      %dma_start3A_71 = arith.constant 0 : i32
      %dma_start3A_72 = tpu.memref_slice %arg4[%add3A, %run_scoped3A_67, %dma_start3A_71] : memref<32x8x1024xf32, #tpu.memory_space<hbm>> -> memref<1x1x1024xf32, #tpu.memory_space<hbm>>
      %dma_start3A_73 = tpu.memref_squeeze %dma_start3A_72 : memref<1x1x1024xf32, #tpu.memory_space<hbm>> -> memref<1024xf32, #tpu.memory_space<hbm>>
      %dma_start3A_74 = arith.constant 0 : i32
      %dma_start3A_75 = tpu.memref_slice %arg4[%add3A, %run_scoped3A_67, %dma_start3A_74] : memref<32x8x1024xf32, #tpu.memory_space<hbm>> -> memref<1x1x1024xf32, #tpu.memory_space<hbm>>
      %dma_start3A_76 = tpu.memref_squeeze %dma_start3A_75 : memref<1x1x1024xf32, #tpu.memory_space<hbm>> -> memref<1024xf32, #tpu.memory_space<hbm>>
      %dma_start3A_77 = arith.constant 6144 : i32
      %dma_start3A_78 = tpu.memref_slice %arg7[%dma_start3A_77] : memref<8192xf32, #tpu.memory_space<vmem>> -> memref<1024xf32, #tpu.memory_space<vmem>>
      tpu.enqueue_dma source(%dma_start3A_78 : memref<1024xf32, #tpu.memory_space<vmem>>) target(%dma_start3A_76 : memref<1024xf32, #tpu.memory_space<hbm>>) target_semaphore(%run_scoped3A_69 : memref<!tpu.dma_semaphore, #tpu.memory_space<semaphore_mem>>)
      %dma_wait3A = arith.constant 6144 : i32
      %dma_wait3A_79 = tpu.memref_slice %arg7[%dma_wait3A] : memref<8192xf32, #tpu.memory_space<vmem>> -> memref<1024xf32, #tpu.memory_space<vmem>>
      %dma_wait3A_80 = arith.constant 0 : i32
      %dma_wait3A_81 = tpu.memref_slice %arg4[%add3A, %run_scoped3A_67, %dma_wait3A_80] : memref<32x8x1024xf32, #tpu.memory_space<hbm>> -> memref<1x1x1024xf32, #tpu.memory_space<hbm>>
      %dma_wait3A_82 = tpu.memref_squeeze %dma_wait3A_81 : memref<1x1x1024xf32, #tpu.memory_space<hbm>> -> memref<1024xf32, #tpu.memory_space<hbm>>
      %dma_wait3A_83 = arith.constant 0 : i32
      %dma_wait3A_84 = tpu.memref_slice %arg4[%add3A, %run_scoped3A_67, %dma_wait3A_83] : memref<32x8x1024xf32, #tpu.memory_space<hbm>> -> memref<1x1x1024xf32, #tpu.memory_space<hbm>>
      %dma_wait3A_85 = tpu.memref_squeeze %dma_wait3A_84 : memref<1x1x1024xf32, #tpu.memory_space<hbm>> -> memref<1024xf32, #tpu.memory_space<hbm>>
      %dma_wait3A_86 = arith.constant 6144 : i32
      %dma_wait3A_87 = tpu.memref_slice %arg7[%dma_wait3A_86] : memref<8192xf32, #tpu.memory_space<vmem>> -> memref<1024xf32, #tpu.memory_space<vmem>>
      tpu.wait_dma2 semaphore(%run_scoped3A_69 : memref<!tpu.dma_semaphore, #tpu.memory_space<semaphore_mem>>) src(%dma_wait3A_87 : memref<1024xf32, #tpu.memory_space<vmem>>) dst(%dma_wait3A_85 : memref<1024xf32, #tpu.memory_space<hbm>>)
      tpu.yield
    }) : () -> ()
    %run_scoped3A_68 = arith.constant 7 : i32
    "tpu.region"() ({
      %run_scoped3A_69 = tpu.sem_alloc : memref<!tpu.dma_semaphore, #tpu.memory_space<semaphore_mem>>
      %dma_start3A = arith.constant 7168 : i32
      %dma_start3A_70 = tpu.memref_slice %arg7[%dma_start3A] : memref<8192xf32, #tpu.memory_space<vmem>> -> memref<1024xf32, #tpu.memory_space<vmem>>
      %dma_start3A_71 = arith.constant 0 : i32
      %dma_start3A_72 = tpu.memref_slice %arg4[%add3A, %run_scoped3A_68, %dma_start3A_71] : memref<32x8x1024xf32, #tpu.memory_space<hbm>> -> memref<1x1x1024xf32, #tpu.memory_space<hbm>>
      %dma_start3A_73 = tpu.memref_squeeze %dma_start3A_72 : memref<1x1x1024xf32, #tpu.memory_space<hbm>> -> memref<1024xf32, #tpu.memory_space<hbm>>
      %dma_start3A_74 = arith.constant 0 : i32
      %dma_start3A_75 = tpu.memref_slice %arg4[%add3A, %run_scoped3A_68, %dma_start3A_74] : memref<32x8x1024xf32, #tpu.memory_space<hbm>> -> memref<1x1x1024xf32, #tpu.memory_space<hbm>>
      %dma_start3A_76 = tpu.memref_squeeze %dma_start3A_75 : memref<1x1x1024xf32, #tpu.memory_space<hbm>> -> memref<1024xf32, #tpu.memory_space<hbm>>
      %dma_start3A_77 = arith.constant 7168 : i32
      %dma_start3A_78 = tpu.memref_slice %arg7[%dma_start3A_77] : memref<8192xf32, #tpu.memory_space<vmem>> -> memref<1024xf32, #tpu.memory_space<vmem>>
      tpu.enqueue_dma source(%dma_start3A_78 : memref<1024xf32, #tpu.memory_space<vmem>>) target(%dma_start3A_76 : memref<1024xf32, #tpu.memory_space<hbm>>) target_semaphore(%run_scoped3A_69 : memref<!tpu.dma_semaphore, #tpu.memory_space<semaphore_mem>>)
      %dma_wait3A = arith.constant 7168 : i32
      %dma_wait3A_79 = tpu.memref_slice %arg7[%dma_wait3A] : memref<8192xf32, #tpu.memory_space<vmem>> -> memref<1024xf32, #tpu.memory_space<vmem>>
      %dma_wait3A_80 = arith.constant 0 : i32
      %dma_wait3A_81 = tpu.memref_slice %arg4[%add3A, %run_scoped3A_68, %dma_wait3A_80] : memref<32x8x1024xf32, #tpu.memory_space<hbm>> -> memref<1x1x1024xf32, #tpu.memory_space<hbm>>
      %dma_wait3A_82 = tpu.memref_squeeze %dma_wait3A_81 : memref<1x1x1024xf32, #tpu.memory_space<hbm>> -> memref<1024xf32, #tpu.memory_space<hbm>>
      %dma_wait3A_83 = arith.constant 0 : i32
      %dma_wait3A_84 = tpu.memref_slice %arg4[%add3A, %run_scoped3A_68, %dma_wait3A_83] : memref<32x8x1024xf32, #tpu.memory_space<hbm>> -> memref<1x1x1024xf32, #tpu.memory_space<hbm>>
      %dma_wait3A_85 = tpu.memref_squeeze %dma_wait3A_84 : memref<1x1x1024xf32, #tpu.memory_space<hbm>> -> memref<1024xf32, #tpu.memory_space<hbm>>
      %dma_wait3A_86 = arith.constant 7168 : i32
      %dma_wait3A_87 = tpu.memref_slice %arg7[%dma_wait3A_86] : memref<8192xf32, #tpu.memory_space<vmem>> -> memref<1024xf32, #tpu.memory_space<vmem>>
      tpu.wait_dma2 semaphore(%run_scoped3A_69 : memref<!tpu.dma_semaphore, #tpu.memory_space<semaphore_mem>>) src(%dma_wait3A_87 : memref<1024xf32, #tpu.memory_space<vmem>>) dst(%dma_wait3A_85 : memref<1024xf32, #tpu.memory_space<hbm>>)
      tpu.yield
    }) : () -> ()
    return
  }
}

module attributes {stable_mosaic.version = 14 : i64} {
  func.func @body(%arg0: memref<32x8x1024xf32, #tpu.memory_space<vmem>>, %arg1: memref<1024x64xf32, #tpu.memory_space<vmem>>, %arg2: memref<64x64xf32, #tpu.memory_space<vmem>>, %arg3: memref<7x64xf32, #tpu.memory_space<vmem>>, %arg4: memref<1x64xf32, #tpu.memory_space<vmem>>, %arg5: memref<64x64xf32, #tpu.memory_space<vmem>>, %arg6: memref<1x64xf32, #tpu.memory_space<vmem>>, %arg7: memref<1024x64xf32, #tpu.memory_space<vmem>>) attributes {dimension_semantics = [], scalar_prefetch = 0 : i64, scratch_operands = 0 : i64, tpu.core_type = #tpu.core_type<tc>} {
    %get3A = arith.constant 0 : index
    %get3A_0 = arith.constant 0 : index
    %get3A_1 = arith.constant 0 : index
    %get3A_2 = vector.load %arg0[%get3A, %get3A_0, %get3A_1] : memref<32x8x1024xf32, #tpu.memory_space<vmem>>, vector<1x8x1024xf32>
    %get3A_3 = vector.shape_cast %get3A_2 : vector<1x8x1024xf32> to vector<8x1024xf32>
    %get3A_4 = arith.constant 1 : index
    %get3A_5 = arith.constant 0 : index
    %get3A_6 = arith.constant 0 : index
    %get3A_7 = vector.load %arg0[%get3A_4, %get3A_5, %get3A_6] : memref<32x8x1024xf32, #tpu.memory_space<vmem>>, vector<1x8x1024xf32>
    %get3A_8 = vector.shape_cast %get3A_7 : vector<1x8x1024xf32> to vector<8x1024xf32>
    %add3A = arith.addf %get3A_3, %get3A_8 : vector<8x1024xf32>
    %get3A_9 = arith.constant 2 : index
    %get3A_10 = arith.constant 0 : index
    %get3A_11 = arith.constant 0 : index
    %get3A_12 = vector.load %arg0[%get3A_9, %get3A_10, %get3A_11] : memref<32x8x1024xf32, #tpu.memory_space<vmem>>, vector<1x8x1024xf32>
    %get3A_13 = vector.shape_cast %get3A_12 : vector<1x8x1024xf32> to vector<8x1024xf32>
    %add3A_14 = arith.addf %add3A, %get3A_13 : vector<8x1024xf32>
    %get3A_15 = arith.constant 3 : index
    %get3A_16 = arith.constant 0 : index
    %get3A_17 = arith.constant 0 : index
    %get3A_18 = vector.load %arg0[%get3A_15, %get3A_16, %get3A_17] : memref<32x8x1024xf32, #tpu.memory_space<vmem>>, vector<1x8x1024xf32>
    %get3A_19 = vector.shape_cast %get3A_18 : vector<1x8x1024xf32> to vector<8x1024xf32>
    %add3A_20 = arith.addf %add3A_14, %get3A_19 : vector<8x1024xf32>
    %get3A_21 = arith.constant 4 : index
    %get3A_22 = arith.constant 0 : index
    %get3A_23 = arith.constant 0 : index
    %get3A_24 = vector.load %arg0[%get3A_21, %get3A_22, %get3A_23] : memref<32x8x1024xf32, #tpu.memory_space<vmem>>, vector<1x8x1024xf32>
    %get3A_25 = vector.shape_cast %get3A_24 : vector<1x8x1024xf32> to vector<8x1024xf32>
    %add3A_26 = arith.addf %add3A_20, %get3A_25 : vector<8x1024xf32>
    %get3A_27 = arith.constant 5 : index
    %get3A_28 = arith.constant 0 : index
    %get3A_29 = arith.constant 0 : index
    %get3A_30 = vector.load %arg0[%get3A_27, %get3A_28, %get3A_29] : memref<32x8x1024xf32, #tpu.memory_space<vmem>>, vector<1x8x1024xf32>
    %get3A_31 = vector.shape_cast %get3A_30 : vector<1x8x1024xf32> to vector<8x1024xf32>
    %add3A_32 = arith.addf %add3A_26, %get3A_31 : vector<8x1024xf32>
    %get3A_33 = arith.constant 6 : index
    %get3A_34 = arith.constant 0 : index
    %get3A_35 = arith.constant 0 : index
    %get3A_36 = vector.load %arg0[%get3A_33, %get3A_34, %get3A_35] : memref<32x8x1024xf32, #tpu.memory_space<vmem>>, vector<1x8x1024xf32>
    %get3A_37 = vector.shape_cast %get3A_36 : vector<1x8x1024xf32> to vector<8x1024xf32>
    %add3A_38 = arith.addf %add3A_32, %get3A_37 : vector<8x1024xf32>
    %get3A_39 = arith.constant 7 : index
    %get3A_40 = arith.constant 0 : index
    %get3A_41 = arith.constant 0 : index
    %get3A_42 = vector.load %arg0[%get3A_39, %get3A_40, %get3A_41] : memref<32x8x1024xf32, #tpu.memory_space<vmem>>, vector<1x8x1024xf32>
    %get3A_43 = vector.shape_cast %get3A_42 : vector<1x8x1024xf32> to vector<8x1024xf32>
    %add3A_44 = arith.addf %add3A_38, %get3A_43 : vector<8x1024xf32>
    %get3A_45 = arith.constant 8 : index
    %get3A_46 = arith.constant 0 : index
    %get3A_47 = arith.constant 0 : index
    %get3A_48 = vector.load %arg0[%get3A_45, %get3A_46, %get3A_47] : memref<32x8x1024xf32, #tpu.memory_space<vmem>>, vector<1x8x1024xf32>
    %get3A_49 = vector.shape_cast %get3A_48 : vector<1x8x1024xf32> to vector<8x1024xf32>
    %add3A_50 = arith.addf %add3A_44, %get3A_49 : vector<8x1024xf32>
    %get3A_51 = arith.constant 9 : index
    %get3A_52 = arith.constant 0 : index
    %get3A_53 = arith.constant 0 : index
    %get3A_54 = vector.load %arg0[%get3A_51, %get3A_52, %get3A_53] : memref<32x8x1024xf32, #tpu.memory_space<vmem>>, vector<1x8x1024xf32>
    %get3A_55 = vector.shape_cast %get3A_54 : vector<1x8x1024xf32> to vector<8x1024xf32>
    %add3A_56 = arith.addf %add3A_50, %get3A_55 : vector<8x1024xf32>
    %get3A_57 = arith.constant 10 : index
    %get3A_58 = arith.constant 0 : index
    %get3A_59 = arith.constant 0 : index
    %get3A_60 = vector.load %arg0[%get3A_57, %get3A_58, %get3A_59] : memref<32x8x1024xf32, #tpu.memory_space<vmem>>, vector<1x8x1024xf32>
    %get3A_61 = vector.shape_cast %get3A_60 : vector<1x8x1024xf32> to vector<8x1024xf32>
    %add3A_62 = arith.addf %add3A_56, %get3A_61 : vector<8x1024xf32>
    %get3A_63 = arith.constant 11 : index
    %get3A_64 = arith.constant 0 : index
    %get3A_65 = arith.constant 0 : index
    %get3A_66 = vector.load %arg0[%get3A_63, %get3A_64, %get3A_65] : memref<32x8x1024xf32, #tpu.memory_space<vmem>>, vector<1x8x1024xf32>
    %get3A_67 = vector.shape_cast %get3A_66 : vector<1x8x1024xf32> to vector<8x1024xf32>
    %add3A_68 = arith.addf %add3A_62, %get3A_67 : vector<8x1024xf32>
    %get3A_69 = arith.constant 12 : index
    %get3A_70 = arith.constant 0 : index
    %get3A_71 = arith.constant 0 : index
    %get3A_72 = vector.load %arg0[%get3A_69, %get3A_70, %get3A_71] : memref<32x8x1024xf32, #tpu.memory_space<vmem>>, vector<1x8x1024xf32>
    %get3A_73 = vector.shape_cast %get3A_72 : vector<1x8x1024xf32> to vector<8x1024xf32>
    %add3A_74 = arith.addf %add3A_68, %get3A_73 : vector<8x1024xf32>
    %get3A_75 = arith.constant 13 : index
    %get3A_76 = arith.constant 0 : index
    %get3A_77 = arith.constant 0 : index
    %get3A_78 = vector.load %arg0[%get3A_75, %get3A_76, %get3A_77] : memref<32x8x1024xf32, #tpu.memory_space<vmem>>, vector<1x8x1024xf32>
    %get3A_79 = vector.shape_cast %get3A_78 : vector<1x8x1024xf32> to vector<8x1024xf32>
    %add3A_80 = arith.addf %add3A_74, %get3A_79 : vector<8x1024xf32>
    %get3A_81 = arith.constant 14 : index
    %get3A_82 = arith.constant 0 : index
    %get3A_83 = arith.constant 0 : index
    %get3A_84 = vector.load %arg0[%get3A_81, %get3A_82, %get3A_83] : memref<32x8x1024xf32, #tpu.memory_space<vmem>>, vector<1x8x1024xf32>
    %get3A_85 = vector.shape_cast %get3A_84 : vector<1x8x1024xf32> to vector<8x1024xf32>
    %add3A_86 = arith.addf %add3A_80, %get3A_85 : vector<8x1024xf32>
    %get3A_87 = arith.constant 15 : index
    %get3A_88 = arith.constant 0 : index
    %get3A_89 = arith.constant 0 : index
    %get3A_90 = vector.load %arg0[%get3A_87, %get3A_88, %get3A_89] : memref<32x8x1024xf32, #tpu.memory_space<vmem>>, vector<1x8x1024xf32>
    %get3A_91 = vector.shape_cast %get3A_90 : vector<1x8x1024xf32> to vector<8x1024xf32>
    %add3A_92 = arith.addf %add3A_86, %get3A_91 : vector<8x1024xf32>
    %get3A_93 = arith.constant 16 : index
    %get3A_94 = arith.constant 0 : index
    %get3A_95 = arith.constant 0 : index
    %get3A_96 = vector.load %arg0[%get3A_93, %get3A_94, %get3A_95] : memref<32x8x1024xf32, #tpu.memory_space<vmem>>, vector<1x8x1024xf32>
    %get3A_97 = vector.shape_cast %get3A_96 : vector<1x8x1024xf32> to vector<8x1024xf32>
    %add3A_98 = arith.addf %add3A_92, %get3A_97 : vector<8x1024xf32>
    %get3A_99 = arith.constant 17 : index
    %get3A_100 = arith.constant 0 : index
    %get3A_101 = arith.constant 0 : index
    %get3A_102 = vector.load %arg0[%get3A_99, %get3A_100, %get3A_101] : memref<32x8x1024xf32, #tpu.memory_space<vmem>>, vector<1x8x1024xf32>
    %get3A_103 = vector.shape_cast %get3A_102 : vector<1x8x1024xf32> to vector<8x1024xf32>
    %add3A_104 = arith.addf %add3A_98, %get3A_103 : vector<8x1024xf32>
    %get3A_105 = arith.constant 18 : index
    %get3A_106 = arith.constant 0 : index
    %get3A_107 = arith.constant 0 : index
    %get3A_108 = vector.load %arg0[%get3A_105, %get3A_106, %get3A_107] : memref<32x8x1024xf32, #tpu.memory_space<vmem>>, vector<1x8x1024xf32>
    %get3A_109 = vector.shape_cast %get3A_108 : vector<1x8x1024xf32> to vector<8x1024xf32>
    %add3A_110 = arith.addf %add3A_104, %get3A_109 : vector<8x1024xf32>
    %get3A_111 = arith.constant 19 : index
    %get3A_112 = arith.constant 0 : index
    %get3A_113 = arith.constant 0 : index
    %get3A_114 = vector.load %arg0[%get3A_111, %get3A_112, %get3A_113] : memref<32x8x1024xf32, #tpu.memory_space<vmem>>, vector<1x8x1024xf32>
    %get3A_115 = vector.shape_cast %get3A_114 : vector<1x8x1024xf32> to vector<8x1024xf32>
    %add3A_116 = arith.addf %add3A_110, %get3A_115 : vector<8x1024xf32>
    %get3A_117 = arith.constant 20 : index
    %get3A_118 = arith.constant 0 : index
    %get3A_119 = arith.constant 0 : index
    %get3A_120 = vector.load %arg0[%get3A_117, %get3A_118, %get3A_119] : memref<32x8x1024xf32, #tpu.memory_space<vmem>>, vector<1x8x1024xf32>
    %get3A_121 = vector.shape_cast %get3A_120 : vector<1x8x1024xf32> to vector<8x1024xf32>
    %add3A_122 = arith.addf %add3A_116, %get3A_121 : vector<8x1024xf32>
    %get3A_123 = arith.constant 21 : index
    %get3A_124 = arith.constant 0 : index
    %get3A_125 = arith.constant 0 : index
    %get3A_126 = vector.load %arg0[%get3A_123, %get3A_124, %get3A_125] : memref<32x8x1024xf32, #tpu.memory_space<vmem>>, vector<1x8x1024xf32>
    %get3A_127 = vector.shape_cast %get3A_126 : vector<1x8x1024xf32> to vector<8x1024xf32>
    %add3A_128 = arith.addf %add3A_122, %get3A_127 : vector<8x1024xf32>
    %get3A_129 = arith.constant 22 : index
    %get3A_130 = arith.constant 0 : index
    %get3A_131 = arith.constant 0 : index
    %get3A_132 = vector.load %arg0[%get3A_129, %get3A_130, %get3A_131] : memref<32x8x1024xf32, #tpu.memory_space<vmem>>, vector<1x8x1024xf32>
    %get3A_133 = vector.shape_cast %get3A_132 : vector<1x8x1024xf32> to vector<8x1024xf32>
    %add3A_134 = arith.addf %add3A_128, %get3A_133 : vector<8x1024xf32>
    %get3A_135 = arith.constant 23 : index
    %get3A_136 = arith.constant 0 : index
    %get3A_137 = arith.constant 0 : index
    %get3A_138 = vector.load %arg0[%get3A_135, %get3A_136, %get3A_137] : memref<32x8x1024xf32, #tpu.memory_space<vmem>>, vector<1x8x1024xf32>
    %get3A_139 = vector.shape_cast %get3A_138 : vector<1x8x1024xf32> to vector<8x1024xf32>
    %add3A_140 = arith.addf %add3A_134, %get3A_139 : vector<8x1024xf32>
    %get3A_141 = arith.constant 24 : index
    %get3A_142 = arith.constant 0 : index
    %get3A_143 = arith.constant 0 : index
    %get3A_144 = vector.load %arg0[%get3A_141, %get3A_142, %get3A_143] : memref<32x8x1024xf32, #tpu.memory_space<vmem>>, vector<1x8x1024xf32>
    %get3A_145 = vector.shape_cast %get3A_144 : vector<1x8x1024xf32> to vector<8x1024xf32>
    %add3A_146 = arith.addf %add3A_140, %get3A_145 : vector<8x1024xf32>
    %get3A_147 = arith.constant 25 : index
    %get3A_148 = arith.constant 0 : index
    %get3A_149 = arith.constant 0 : index
    %get3A_150 = vector.load %arg0[%get3A_147, %get3A_148, %get3A_149] : memref<32x8x1024xf32, #tpu.memory_space<vmem>>, vector<1x8x1024xf32>
    %get3A_151 = vector.shape_cast %get3A_150 : vector<1x8x1024xf32> to vector<8x1024xf32>
    %add3A_152 = arith.addf %add3A_146, %get3A_151 : vector<8x1024xf32>
    %get3A_153 = arith.constant 26 : index
    %get3A_154 = arith.constant 0 : index
    %get3A_155 = arith.constant 0 : index
    %get3A_156 = vector.load %arg0[%get3A_153, %get3A_154, %get3A_155] : memref<32x8x1024xf32, #tpu.memory_space<vmem>>, vector<1x8x1024xf32>
    %get3A_157 = vector.shape_cast %get3A_156 : vector<1x8x1024xf32> to vector<8x1024xf32>
    %add3A_158 = arith.addf %add3A_152, %get3A_157 : vector<8x1024xf32>
    %get3A_159 = arith.constant 27 : index
    %get3A_160 = arith.constant 0 : index
    %get3A_161 = arith.constant 0 : index
    %get3A_162 = vector.load %arg0[%get3A_159, %get3A_160, %get3A_161] : memref<32x8x1024xf32, #tpu.memory_space<vmem>>, vector<1x8x1024xf32>
    %get3A_163 = vector.shape_cast %get3A_162 : vector<1x8x1024xf32> to vector<8x1024xf32>
    %add3A_164 = arith.addf %add3A_158, %get3A_163 : vector<8x1024xf32>
    %get3A_165 = arith.constant 28 : index
    %get3A_166 = arith.constant 0 : index
    %get3A_167 = arith.constant 0 : index
    %get3A_168 = vector.load %arg0[%get3A_165, %get3A_166, %get3A_167] : memref<32x8x1024xf32, #tpu.memory_space<vmem>>, vector<1x8x1024xf32>
    %get3A_169 = vector.shape_cast %get3A_168 : vector<1x8x1024xf32> to vector<8x1024xf32>
    %add3A_170 = arith.addf %add3A_164, %get3A_169 : vector<8x1024xf32>
    %get3A_171 = arith.constant 29 : index
    %get3A_172 = arith.constant 0 : index
    %get3A_173 = arith.constant 0 : index
    %get3A_174 = vector.load %arg0[%get3A_171, %get3A_172, %get3A_173] : memref<32x8x1024xf32, #tpu.memory_space<vmem>>, vector<1x8x1024xf32>
    %get3A_175 = vector.shape_cast %get3A_174 : vector<1x8x1024xf32> to vector<8x1024xf32>
    %add3A_176 = arith.addf %add3A_170, %get3A_175 : vector<8x1024xf32>
    %get3A_177 = arith.constant 30 : index
    %get3A_178 = arith.constant 0 : index
    %get3A_179 = arith.constant 0 : index
    %get3A_180 = vector.load %arg0[%get3A_177, %get3A_178, %get3A_179] : memref<32x8x1024xf32, #tpu.memory_space<vmem>>, vector<1x8x1024xf32>
    %get3A_181 = vector.shape_cast %get3A_180 : vector<1x8x1024xf32> to vector<8x1024xf32>
    %add3A_182 = arith.addf %add3A_176, %get3A_181 : vector<8x1024xf32>
    %get3A_183 = arith.constant 31 : index
    %get3A_184 = arith.constant 0 : index
    %get3A_185 = arith.constant 0 : index
    %get3A_186 = vector.load %arg0[%get3A_183, %get3A_184, %get3A_185] : memref<32x8x1024xf32, #tpu.memory_space<vmem>>, vector<1x8x1024xf32>
    %get3A_187 = vector.shape_cast %get3A_186 : vector<1x8x1024xf32> to vector<8x1024xf32>
    %add3A_188 = arith.addf %add3A_182, %get3A_187 : vector<8x1024xf32>
    %slice3A = vector.extract_strided_slice %add3A_188 {offsets = [0, 0], sizes = [7, 1024], strides = [1, 1]} : vector<8x1024xf32> to vector<7x1024xf32>
    %slice3A_189 = vector.extract_strided_slice %add3A_188 {offsets = [7, 0], sizes = [1, 1024], strides = [1, 1]} : vector<8x1024xf32> to vector<1x1024xf32>
    %max3A = arith.constant 1.000000e+00 : f32
    %max3A_190 = vector.broadcast %max3A : f32 to vector<1x1024xf32>
    %max3A_191 = arith.maximumf %slice3A_189, %max3A_190 : vector<1x1024xf32>
    %div3A = vector.broadcast %max3A_191 : vector<1x1024xf32> to vector<7x1024xf32>
    %div3A_192 = arith.divf %slice3A, %div3A : vector<7x1024xf32>
    %get3A_193 = arith.constant 0 : index
    %get3A_194 = arith.constant 0 : index
    %get3A_195 = vector.load %arg1[%get3A_193, %get3A_194] : memref<1024x64xf32, #tpu.memory_space<vmem>>, vector<1024x64xf32>
    %get3A_196 = arith.constant 0 : index
    %get3A_197 = arith.constant 0 : index
    %get3A_198 = vector.load %arg2[%get3A_196, %get3A_197] : memref<64x64xf32, #tpu.memory_space<vmem>>, vector<64x64xf32>
    %dot_general3A = arith.constant dense<0.000000e+00> : vector<1024x64xf32>
    %dot_general3A_199 = tpu.matmul %get3A_195, %get3A_198, %dot_general3A {dimension_numbers = #tpu.dot_dimension_numbers<[1], [0], [0], [1], [0, 0, 1, 1], [], []>, transpose_lhs_hint = false} : vector<1024x64xf32>, vector<64x64xf32>, vector<1024x64xf32> -> vector<1024x64xf32>
    %get3A_200 = arith.constant 0 : index
    %get3A_201 = arith.constant 0 : index
    %get3A_202 = vector.load %arg3[%get3A_200, %get3A_201] : memref<7x64xf32, #tpu.memory_space<vmem>>, vector<7x64xf32>
    %dot_general3A_203 = arith.constant dense<0.000000e+00> : vector<1024x64xf32>
    %dot_general3A_204 = tpu.matmul %div3A_192, %get3A_202, %dot_general3A_203 {dimension_numbers = #tpu.dot_dimension_numbers<[0], [0], [1], [1], [0, 1, 1, 1], [], []>, transpose_lhs_hint = false} : vector<7x1024xf32>, vector<7x64xf32>, vector<1024x64xf32> -> vector<1024x64xf32>
    %add3A_205 = arith.addf %dot_general3A_199, %dot_general3A_204 : vector<1024x64xf32>
    %get3A_206 = arith.constant 0 : index
    %get3A_207 = arith.constant 0 : index
    %get3A_208 = vector.load %arg4[%get3A_206, %get3A_207] : memref<1x64xf32, #tpu.memory_space<vmem>>, vector<1x64xf32>
    %add3A_209 = vector.broadcast %get3A_208 : vector<1x64xf32> to vector<1024x64xf32>
    %add3A_210 = arith.addf %add3A_205, %add3A_209 : vector<1024x64xf32>
    %ge3A = arith.constant 0.000000e+00 : f32
    %ge3A_211 = vector.broadcast %ge3A : f32 to vector<1024x64xf32>
    %ge3A_212 = arith.cmpf oge, %add3A_210, %ge3A_211 : vector<1024x64xf32>
    %mul3A = arith.constant 0.00999999977 : f32
    %mul3A_213 = vector.broadcast %mul3A : f32 to vector<1024x64xf32>
    %mul3A_214 = arith.mulf %mul3A_213, %add3A_210 : vector<1024x64xf32>
    %select_n3A = arith.select %ge3A_212, %add3A_210, %mul3A_214 : vector<1024x64xi1>, vector<1024x64xf32>
    %get3A_215 = arith.constant 0 : index
    %get3A_216 = arith.constant 0 : index
    %get3A_217 = vector.load %arg5[%get3A_215, %get3A_216] : memref<64x64xf32, #tpu.memory_space<vmem>>, vector<64x64xf32>
    %dot_general3A_218 = arith.constant dense<0.000000e+00> : vector<1024x64xf32>
    %dot_general3A_219 = tpu.matmul %select_n3A, %get3A_217, %dot_general3A_218 {dimension_numbers = #tpu.dot_dimension_numbers<[1], [0], [0], [1], [0, 0, 1, 1], [], []>, transpose_lhs_hint = false} : vector<1024x64xf32>, vector<64x64xf32>, vector<1024x64xf32> -> vector<1024x64xf32>
    %get3A_220 = arith.constant 0 : index
    %get3A_221 = arith.constant 0 : index
    %get3A_222 = vector.load %arg6[%get3A_220, %get3A_221] : memref<1x64xf32, #tpu.memory_space<vmem>>, vector<1x64xf32>
    %add3A_223 = vector.broadcast %get3A_222 : vector<1x64xf32> to vector<1024x64xf32>
    %add3A_224 = arith.addf %dot_general3A_219, %add3A_223 : vector<1024x64xf32>
    %swap3A = arith.constant 0 : index
    %swap3A_225 = arith.constant 0 : index
    %swap3A_226 = vector.load %arg7[%swap3A, %swap3A_225] : memref<1024x64xf32, #tpu.memory_space<vmem>>, vector<1024x64xf32>
    tpu.vector_store %arg7[%swap3A, %swap3A_225], %add3A_224 {strides = array<i32>} : memref<1024x64xf32, #tpu.memory_space<vmem>>, vector<1024x64xf32>,
    return
  }
}

</mosaic_0001>

<sc_bundles>
// kernel: kernel.4.cloned.1.call-start
scs
__scs_entry_jumppad:
0x0: {  	(pc) =	sbr.rel $0x88, $3  }
0x1: {  	(tag) =	ssettag $0x0;
	lr =	simm.s32 $0x1  }
0x2: {  	[smem:$0x3F9A] =	sst lr;
	_ =	strace $0xD0000000  }
0x3: {  	_ = 	snop  }
0x4: {  	_ = 	snop  }
0x5: {  	_ = 	snop  }
0x6: {  	_ = 	snop  }
0x7: {  	_ = 	snop  }
__scs_overlays_trampoline_lowered:
0x8: {  	[smem:$0x3FA9] =	sst s0  }
0x9: {  	[smem:$0x3FAA] =	sst s1  }
0xa: {  	[smem:$0x3FAB] =	sst s2  }
0xb: {  	[smem:$0x3FAC] =	sst s3  }
0xc: {  	[smem:$0x3FAD] =	sst s4  }
0xd: {  	[smem:$0x3FAE] =	sst s5  }
0xe: {  	[smem:$0x3FAF] =	sst s6  }
0xf: {  	[smem:$0x3FB0] =	sst s7  }
0x10: {  	[smem:$0x3FB1] =	sst s8  }
0x11: {  	[smem:$0x3FB2] =	sst s9;
	s0 =	simm.s32 @!p0 $0x0  }
0x12: {  	s1 =	sld [smem:$0x3F98];
	s0 =	simm.s32 @p0 $0x1  }
0x13: {  	[smem:$0x3FB3] =	sst s0;
	s0 =	simm.s32 @!p1 $0x0  }
0x14: {  	s2 =	sld [smem:$0x3F97];
	s0 =	simm.s32 @p1 $0x1  }
0x15: {  	[smem:$0x3FB4] =	sst s0;
	s0 =	simm.s32 @!p2 $0x0  }
0x16: {  	s3 =	sld [smem:$0x3FDB];
	s0 =	simm.s32 @p2 $0x1  }
0x17: {  	s4 =	simm.s32 $0x1BF5;
	[smem:$0x3FB6] =	sst s0  }
0x18: {  	s0 =	sld [smem:$0x3F99];
	_ =	swait.ge [sflag:s4], $0x0  }
0x19: {  	s7 =	sld [smem:$0x3F9A]  }
0x1a: {  	s8 =	sadd.s32 $0xFFFFE003, lr  }
0x1b: {  	s9 =	sadd.s32 $0xFFFFFEF7, lr;
	s5 =	simm.s32 $0xFFFFFFFF;
	p2 =	slt.u32 s8, $0xFFFFF086  }
0x1c: {  	p1 =	slt.u32 s9, $0xF7A;
	s5 =	simm.s32 @!p2 $0x0  }
0x1d: {  	s5 =	simm.s32 @p1 $0x1;
	p0 =	seq.s32 s7, s2  }
0x1e: {  	s7 =	smul.u32 @!p0 $0xF7A, s2;
	p2 =	seq.s32 @!p0 s5, $0x0  }
0x1f: {  	s9 =	smul.u32 $0xF7A, s1;
	s8 =	simm.s32 @!p0 $0x1BF5;
	p2 =	por !p2, p0  }
0x20: {  	[sflag:s8] =	ssyncset.s32 @!p0 $0xFFFFF086;
	s6 =	sadd.s32 @!p0 s3, s7;
	s7 =	simm.s32 @!p0 $0x108  }
0x21: {  	s3 =	sadd.s32 s3, s9;
	s6 =	sadd.s32 @!p0 $0x88, s6;
	s7 =	simm.s32 @p2 $0x1082  }
0x22: {  	[simem:s7], [sflag:s8] =	dma.local @!p0 [hbm:s6], $0xF7A  }
0x23: {  	s9 =	sor.u32 $0xD0000000, s2;
	s6 =	simm.s32 $0x108;
	_ =	swait.ge @!p0 [sflag:s8], $0x0  }
0x24: {  	s3 =	sadd.s32 $0x88, s3;
	s6 =	simm.s32 @!p1 $0x1082;
	[sflag:s4] =	ssyncset.s32 $0xFFFFF086  }
0x25: {  	[simem:s6], [sflag:s4] =	dma.local [hbm:s3], $0xF7A  }
0x26: {  	[smem:$0x3F9A] =	sst s1;
	(tag) =	ssettag s2;
	_ =	strace s9  }
0x27: {  	s1 =	sld [smem:$0x3FAA]  }
0x28: {  	s2 =	sld [smem:$0x3FAB]  }
0x29: {  	s4 =	sld [smem:$0x3FAD]  }
0x2a: {  	p0 =	seq.s32 s5, $0x0;
	s5 =	sld [smem:$0x3FAE]  }
0x2b: {  	s6 =	sld [smem:$0x3FAF]  }
0x2c: {  	s7 =	sld [smem:$0x3FB0]  }
0x2d: {  	s3 =	simm.s32 $0x108;
	s8 =	sld [smem:$0x3FB1]  }
0x2e: {  	s3 =	simm.s32 @!p0 $0x1082;
	s9 =	sld [smem:$0x3FB2]  }
0x2f: {  	lr =	sadd.s32 s0, s3;
	s0 =	sld [smem:$0x3FA9]  }
0x30: {  	s3 =	sld [smem:$0x3FAC]  }
0x31: {  	[smem:$0x3FB5] =	sst s10  }
0x32: {  	s10 =	sld [smem:$0x3FB3];
	_ =	sdelay $0x3  }
0x33: {  	p0 =	seq.s32 s10, $0x1;
	s10 =	sld [smem:$0x3FB5];
	_ =	sdelay $0x3  }
0x34: {  	[smem:$0x3FB5] =	sst s10  }
0x35: {  	s10 =	sld [smem:$0x3FB4];
	_ =	sdelay $0x3  }
0x36: {  	p1 =	seq.s32 s10, $0x1;
	s10 =	sld [smem:$0x3FB5];
	_ =	sdelay $0x3  }
0x37: {  	[smem:$0x3FB5] =	sst s10  }
0x38: {  	s10 =	sld [smem:$0x3FB6]  }
0x39: {  	_ = 	snop;
	(pc) =	sbr.ind lr, $3  }
0x3a: {  	_ = 	snop  }
0x3b: {  	_ = 	snop  }
0x3c: {  	p2 =	seq.s32 s10, $0x1;
	s10 =	sld [smem:$0x3FB5]  }
0x3d: {  	_ =	shalt  }
0x3e: {  	_ =	shalt  }
0x3f: {  	_ =	shalt  }
0x40: {  	_ =	shalt  }
0x41: {  	_ =	shalt  }
0x42: {  	_ =	shalt  }
0x43: {  	_ =	shalt  }
0x44: {  	_ =	shalt  }
0x45: {  	_ =	shalt  }
0x46: {  	_ =	shalt  }
0x47: {  	_ =	shalt  }
0x48: {  	_ =	shalt  }
0x49: {  	_ =	shalt  }
0x4a: {  	_ =	shalt  }
0x4b: {  	_ =	shalt  }
0x4c: {  	_ =	shalt  }
0x4d: {  	_ =	shalt  }
0x4e: {  	_ =	shalt  }
0x4f: {  	_ =	shalt  }
0x50: {  	_ =	shalt  }
0x51: {  	_ =	shalt  }
0x52: {  	_ =	shalt  }
0x53: {  	_ =	shalt  }
0x54: {  	_ =	shalt  }
0x55: {  	_ =	shalt  }
0x56: {  	_ =	shalt  }
0x57: {  	_ =	shalt  }
0x58: {  	_ =	shalt  }
0x59: {  	_ =	shalt  }
0x5a: {  	_ =	shalt  }
0x5b: {  	_ =	shalt  }
0x5c: {  	_ =	shalt  }
0x5d: {  	_ =	shalt  }
0x5e: {  	_ =	shalt  }
0x5f: {  	_ =	shalt  }
0x60: {  	_ =	shalt  }
0x61: {  	_ =	shalt  }
0x62: {  	_ =	shalt  }
0x63: {  	_ =	shalt  }
0x64: {  	_ =	shalt  }
0x65: {  	_ =	shalt  }
0x66: {  	_ =	shalt  }
0x67: {  	_ =	shalt  }
0x68: {  	_ =	shalt  }
0x69: {  	_ =	shalt  }
0x6a: {  	_ =	shalt  }
0x6b: {  	_ =	shalt  }
0x6c: {  	_ =	shalt  }
0x6d: {  	_ =	shalt  }
0x6e: {  	_ =	shalt  }
0x6f: {  	_ =	shalt  }
0x70: {  	_ =	shalt  }
0x71: {  	_ =	shalt  }
0x72: {  	_ =	shalt  }
0x73: {  	_ =	shalt  }
0x74: {  	_ =	shalt  }
0x75: {  	_ =	shalt  }
0x76: {  	_ =	shalt  }
0x77: {  	_ =	shalt  }
0x78: {  	_ =	shalt  }
0x79: {  	_ =	shalt  }
0x7a: {  	_ =	shalt  }
0x7b: {  	_ =	shalt  }
0x7c: {  	_ =	shalt  }
0x7d: {  	_ =	shalt  }
0x7e: {  	_ =	shalt  }
0x7f: {  	_ =	shalt  }
0x80: {  	_ =	shalt  }
0x81: {  	_ =	shalt  }
0x82: {  	_ =	shalt  }
0x83: {  	_ =	shalt  }
0x84: {  	_ =	shalt  }
0x85: {  	_ =	shalt  }
0x86: {  	_ =	shalt  }
0x87: {  	_ =	shalt  }
.Lfunc_end0:
.L_simem_size_0:
called_computation_lowered:
.L_overlay_start_0:
0x88: {  	s2 =	sld [smem:$0x3FD9]  }
0x89: {  	s3 =	sld [smem:$0x3FFE];
	_ =	sdelay $0x1  }
0x8a: {  	s1 =	srdreg.scid  }
0x8b: {  	s0 =	sand.u32 $0x1, s1  }
0x8c: {  	s17 =	sshll.u32 s0, $0xA;
	s2 =	sadd.s32 s3, s2  }
0x8d: {  	s2 =	sadd.s32 s2, s17  }
0x8e: {  	[smem:$0x3FC1] =	sst s2  }
0x8f: {  	_ = 	snop  }
0x90: {  	s2 =	sld [smem:$0x3FC7];
	(tm) =	ssettm $0x1  }
0x91: {  	s18 =	sld [smem:$0x3FFB];
	_ =	sdelay $0x3  }
0x92: {  	_ =	strace s18  }
0x93: {  	s3 =	sld [smem:$0x3FFC];
	_ =	sdelay $0x3  }
0x94: {  	_ =	strace s3  }
0x95: {  	s3 =	sld [smem:$0x3FFD];
	_ =	sdelay $0x3  }
0x96: {  	_ =	strace s3  }
0x97: {  	_ =	strace $0x8FFFFFFF  }
0x98: {  	s19 =	sld [smem:$0x3FDB];
	_ =	sdelay $0x1  }
0x99: {  	s4 =	simm.s32 $_scs_section_size  }
0x9a: {  	s5 =	simm.s32 $_size__tile_overlayer_lowered;
	s6 =	simm.s32 $_tile_overlayer_lowered  }
0x9b: {  	s22 =	simm.s32 $0x1BFF;
	s21 =	sshll.u32 s6, $0x1;
	s3 =	sadd.s32 s4, s19  }
0x9c: {  	s7 =	simm.s32 $0x0;
	s20 =	sshll.u32 s5, $0x1;
	s5 =	sadd.s32 s21, s3  }
0x9d: {  	[timem:s7], [sflag:s22] =	dma.local [hbm:s5], s20  }
0x9e: {  	_ =	swait.ge [sflag:s22], s20  }
0x9f: {  	s4 =	ssub.s32 $0x0, s20;
	[sflag:s22] =	ssyncset.done $0x0  }
0xa0: {  	[sflag:s22] =	ssyncadd.s32 s4;
	_ =	sdelay $0x1  }
0xa1: {  	s23 =	simm.s32 $0x1B8B  }
0xa2: {  	_ =	swait.ge [sflag:s23], $0x1  }
0xa3: {  	[sflag:s23] =	ssyncset.done $0x0  }
0xa4: {  	s25 =	simm.s32 $0x1B8E;
	s24 =	sld [smem:$0x3FFE];
	[sflag:s23] =	ssyncadd.s32 $0xFFFFFFFF  }
0xa5: {  	s26 =	simm.s32 $execute0_lowered;
	[smem:$0x3FD2] =	sst s25  }
0xa6: {  	s5 =	sshll.u32 s26, $0x1;
	_ =	strace $0x80000046;
	[dreg:$0x1] =	wrdreg $0xFFFFFFFF  }
0xa7: {  	s28 =	simm.s32 $_size_execute0_lowered;
	s3 =	sadd.s32 s3, s5;
	[dreg:$0x0] =	wrdreg $0x0  }
0xa8: {  	s5 =	sshll.u32 s28, $0x1;
	[dreg:$0x2] =	wrdreg s3  }
0xa9: {  	[dreg:$0x3] =	wrdreg s5  }
0xaa: {  	[dreg:$0x4] =	wrdreg $0xC0  }
0xab: {  	_ =	task [dreg:s7], $0x5FFFF  }
0xac: {  	[dreg:$0x1] =	wrdreg $0xFFFFFFFF  }
0xad: {  	[dreg:$0x0] =	wrdreg $0x60  }
0xae: {  	[dreg:$0x2] =	wrdreg s24  }
0xaf: {  	[dreg:$0x3] =	wrdreg s2  }
0xb0: {  	[dreg:$0x4] =	wrdreg $0x9  }
0xb1: {  	_ =	task.clear_ibuf [dreg:s7], $0x5FFFF;
	_ =	strace $0x90000046  }
0xb2: {  	s29 =	simm.s32 $0x9;
	_ =	strace $0x80000048  }
0xb3: {  	_ =	swait.ge [sflag:s29], $0x1  }
0xb4: {  	[sflag:s29] =	ssyncadd.s32 $0xFFFFFFFF  }
0xb5: {  	_ =	strace $0x90000048  }
0xb6: {  	_ =	sfence  }
0xb7: {  	s30 =	sld [smem:$0x0];
	_ =	sdelay $0x2  }
0xb8: {  	s31 =	sshll.u32 s1, $0xD;
	s1 =	sshrl.u32 s1, $0x2  }
0xb9: {  	s3 =	sand.u32 $0x4000, s31;
	s1 =	sadd.s32 s1, s30  }
0xba: {  	s0 =	sor.u32 s3, s0;
	s1 =	sshll.u32 s1, $0x11  }
0xbb: {  	s0 =	sor.u32 s1, s0  }
0xbc: {  	s0 =	sadd.s32 $0x8F2B, s0  }
0xbd: {  	[sflag:s0] =	ssyncadd.remote.s32 $0x1  }
0xbe: {  	_ =	sfence.sel $0xFFFF  }
0xbf: {  	[dreg:$0x0] =	wrdreg $0xFFFFFFFF;
	(pc) =	sbr.abs _section_cstart, $3  }
0xc0: {  	[dreg:$0x1] =	wrdreg $0xFFFFFFFF  }
0xc1: {  	_ =	task.clear_ibuf [dreg:s7], $0x2FFFF;
	_ =	strace $0x9FFFFFFF  }
0xc2: {  	(tm) =	ssettm $0x7FFFFFFF  }
0xc3: {  	_ =	shalt  }
tec
execute0_lowered:
.L_overlay_start_1:
0x0: {  	(tag) =	ssettag $0x1  }
0x1: {  	s0 =	srdreg.scid;
	s3 =	rddreg [dreg:$0x0]  }
0x2: {  	s1 =	stileid.u32;
	s10 =	rddreg [dreg:$0x1]  }
0x3: {  	s2 =	simm.s32 $0x0;
	s20 =	simm.s32 $0x1;
	s28 =	simm.s32 $0x55F8  }
0x4: {  	s29 =	simm.s32 $0x6240;
	s22 =	simm.s32 $0x7A40;
	s23 =	simm.s32 $0x7E40  }
0x5: {  	s24 =	simm.s32 $0x0;
	s0 =	sand.u32 $0x1, s0;
	s1 =	sshll.u32 s1, $0x1  }
0x6: {  	[smem:$0x7FF] =	sst s2;
	s1 =	sor.u32 s0, s1;
	s0 =	ssub.s32 $0x2, s0  }
0x7: {  	s4 =	smul.u32 $0xC35, s1;
	s1 =	sshll.u32 s1, $0xA;
	s31 =	sshrl.u32 s0, $0x1  }
0x8: {  	_ =	strace $0x80000047;
	s1 =	sadd.s32 s1, s3;
	s0 =	ssub.s32 s0, s31  }
0x9: {  	s5 =	sand.u32 $0x1FFF8, s4;
	s12 =	sadd.s32 $0x16480, s1;
	s13 =	sadd.s32 $0x16500, s1  }
0xa: {  	s14 =	sadd.s32 $0x16580, s1;
	s15 =	sadd.s32 $0x16600, s1;
	s16 =	sadd.s32 $0x16680, s1  }
0xb: {  	s17 =	sadd.s32 $0x16700, s1;
	s18 =	sadd.s32 $0x16780, s1;
	s5 =	smin.u32 s5, $0x17A58  }
0xc: {  	s19 =	smax.u32 s0, $0x1;
	s0 =	simm.s32 $0x7240;
	s11 =	sshrl.u32 s5, $0x3  }
0xd: {  	s21 =	ssub.s32 s4, s5;
	s9 =	sadd.s32 s11, s3;
	s10 =	sadd.s32 s10, s11  }
0xe: {  	s11 =	sadd.s32 $0x16400, s1;
	v0 =	vmov s21;
	s21 =	simm.s32 $0x7640;
	s3 =	sadd.s32 $0xE00, s9  }
0xf: {  	v2 =	vlaneseq.u32;
	s4 =	sadd.s32 $0x3ED4, s9;
	s5 =	sadd.s32 $0x6FA8, s9;
	s6 =	sadd.s32 $0xA07C, s9  }
0x10: {  	v1 =	vimm.f32 $0.0e+00;
	v3 =	vimm.f32 $1.000000000e+00;
	v2 =	vmul.u32 $0xC4, v2;
	s7 =	sadd.s32 $0xD150, s9;
	s8 =	sadd.s32 $0x10224, s9;
	s9 =	sadd.s32 $0x132F8, s9  }
.LBB2_1:
0x11: {  	[tilespmem:s2], [sflag:$0x1] =	stream.linear.gather [hbm4b:s3+s2], $0xC48, $0x38;
	[tilespmem:$0x8240] =	vst v63  }
0x12: {  	_ =	swait.ge [sflag:s20], $0xC48  }
0x13: {  	[sflag:s20] =	ssyncset.done $0x0  }
0x14: {  	s1 =	simm.s32 $0xC48;
	[sflag:s20] =	ssyncadd.s32 $0xFFFFF3B8  }
0x15: {  	[tilespmem:s1], [sflag:$0x1] =	stream.linear.gather [hbm4b:s4+s2], $0xC48, $0x38;
	[tilespmem:$0x8240] =	vst v63  }
0x16: {  	_ =	swait.ge [sflag:s20], $0xC48  }
0x17: {  	[sflag:s20] =	ssyncset.done $0x0  }
0x18: {  	s31 =	simm.s32 $0x1890;
	[sflag:s20] =	ssyncadd.s32 $0xFFFFF3B8  }
0x19: {  	[tilespmem:s31], [sflag:$0x1] =	stream.linear.gather [hbm4b:s5+s2], $0xC48, $0x38;
	[tilespmem:$0x8240] =	vst v63  }
0x1a: {  	_ =	swait.ge [sflag:s20], $0xC48  }
0x1b: {  	[sflag:s20] =	ssyncset.done $0x0  }
0x1c: {  	s25 =	simm.s32 $0x24D8;
	[sflag:s20] =	ssyncadd.s32 $0xFFFFF3B8  }
0x1d: {  	[tilespmem:s25], [sflag:$0x1] =	stream.linear.gather [hbm4b:s6+s2], $0xC48, $0x38;
	[tilespmem:$0x8240] =	vst v63  }
0x1e: {  	_ =	swait.ge [sflag:s20], $0xC48  }
0x1f: {  	[sflag:s20] =	ssyncset.done $0x0  }
0x20: {  	s26 =	simm.s32 $0x3120;
	[sflag:s20] =	ssyncadd.s32 $0xFFFFF3B8  }
0x21: {  	[tilespmem:s26], [sflag:$0x1] =	stream.linear.gather [hbm4b:s7+s2], $0xC48, $0x38;
	[tilespmem:$0x8240] =	vst v63  }
0x22: {  	_ =	swait.ge [sflag:s20], $0xC48  }
0x23: {  	[sflag:s20] =	ssyncset.done $0x0  }
0x24: {  	s30 =	simm.s32 $0x3D68;
	[sflag:s20] =	ssyncadd.s32 $0xFFFFF3B8  }
0x25: {  	[tilespmem:s30], [sflag:$0x1] =	stream.linear.gather [hbm4b:s8+s2], $0xC48, $0x38;
	[tilespmem:$0x8240] =	vst v63  }
0x26: {  	_ =	swait.ge [sflag:s20], $0xC48  }
0x27: {  	[sflag:s20] =	ssyncset.done $0x0  }
0x28: {  	s31 =	simm.s32 $0x49B0;
	[sflag:s20] =	ssyncadd.s32 $0xFFFFF3B8  }
0x29: {  	[tilespmem:s31], [sflag:$0x1] =	stream.linear.gather [hbm4b:s9+s2], $0xC48, $0x38;
	[tilespmem:$0x8240] =	vst v63  }
0x2a: {  	_ =	swait.ge [sflag:s20], $0xC48  }
0x2b: {  	[sflag:s20] =	ssyncset.done $0x0  }
0x2c: {  	[sflag:s20] =	ssyncadd.s32 $0xFFFFF3B8  }
0x2d: {  	[tilespmem:s28], [sflag:$0x1] =	stream.linear.gather [hbm4b:s10+s2], $0xC48, $0x38;
	[tilespmem:$0x8240] =	vst v63  }
0x2e: {  	_ =	swait.ge [sflag:s20], $0xC48  }
0x2f: {  	[sflag:s20] =	ssyncset.done $0x0  }
0x30: {  	s25 =	simm.s32 $0x6280;
	[sflag:s20] =	ssyncadd.s32 $0xFFFFF3B8  }
0x31: {  	[tilespmem:s25+$0xFFFFFFC0] =	vst v1  }
0x32: {  	[tilespmem:s25+$0x30] =	vst v1  }
0x33: {  	[tilespmem:s25+$0x20] =	vst v1  }
0x34: {  	[tilespmem:s25+$0x10] =	vst v1  }
0x35: {  	[tilespmem:s25+$0x0] =	vst v1  }
0x36: {  	[tilespmem:s25+$0xFFFFFFF0] =	vst v1  }
0x37: {  	s26 =	simm.s32 $0x0;
	[tilespmem:s25+$0xFFFFFFE0] =	vst v1  }
.LBB2_2:
0x38: {  	s26 =	sadd.s32 $0x8, s26;
	[tilespmem:s25+$0xFFFFFFD0] =	vst v1;
	s25 =	sadd.s32 $0x80, s25  }
0x39: {  	[tilespmem:s25+$0xFFFFFFC0] =	vst v1;
	p0 =	slt.u32 s26, $0x1F8  }
0x3a: {  	[tilespmem:s25+$0x30] =	vst v1  }
.Ltmp0:
0x3b: {  	[tilespmem:s25+$0x20] =	vst v1;
	(pc) =	sbr.rel @p0 .LBB2_2-.Ltmp0, $4  }
0x3c: {  	[tilespmem:s25+$0x10] =	vst v1  }
0x3d: {  	[tilespmem:s25+$0x0] =	vst v1  }
0x3e: {  	[tilespmem:s25+$0xFFFFFFF0] =	vst v1  }
0x3f: {  	[tilespmem:s25+$0xFFFFFFE0] =	vst v1  }
0x40: {  	s26 =	simm.s32 $0x0  }
0x41: {  	v4 =	vadd.s32 s26, v2  }
0x42: {  	vm0 =	vlt.s32 v4, $0xC34  }
0x43: {  	vm2 =	vlt.u32 v4, $0xC35;
	v4 =	vnsel vm0, $0xC34, v4  }
0x44: {  	s31 =	simm.s32 $0x1;
	v4 =	vadd.s32 v0, v4  }
0x45: {  	v5 =	vadd.s32 s31, v2  }
0x46: {  	vm0 =	vlt.s32 v5, $0xC34  }
0x47: {  	vm3 =	vlt.u32 v5, $0xC35;
	v5 =	vnsel vm0, $0xC34, v5  }
0x48: {  	[tilespmem:s25+$0xFFFFFFD0] =	vst v1;
	v7 =	vadd.s32 v0, v5  }
0x49: {  	v6 =	vld.idx.msk [tilespmem:v4+s28+$0x0], vm2;
	_ =	sdelay $0x3  }
0x4a: {  	v8 =	vld.idx.msk [tilespmem:v7+s28+$0x0], vm3  }
0x4b: {  	v5 =	vadd.s32 $0x1C00, v6;
	_ =	sdelay $0x3  }
0x4c: {  	v10 =	vadd.s32 $0x1C00, v8  }
0x4d: {  	[tilespmem:v5+s29+$0x0] =	vst.idx.add.f32.msk vm2, v3  }
0x4e: {  	v5 =	vld.idx.msk [tilespmem:v4+s2+$0x0], vm2  }
0x4f: {  	v9 =	vadd.s32 $0xC48, v4;
	_ =	sdelay $0x1  }
0x50: {  	[tilespmem:v10+s29+$0x0] =	vst.idx.add.f32.msk vm3, v3  }
0x51: {  	v11 =	vld.idx.msk [tilespmem:v7+s2+$0x0], vm3  }
0x52: {  	v12 =	vadd.s32 $0xC48, v7;
	[tilespmem:v6+s29+$0x0] =	vst.idx.add.f32.msk vm2, v5  }
0x53: {  	v5 =	vld.idx.msk [tilespmem:v9+s2+$0x0], vm2;
	v9 =	vadd.s32 $0x400, v6  }
0x54: {  	v10 =	vadd.s32 $0x1890, v4;
	_ =	sdelay $0x1  }
0x55: {  	[tilespmem:v8+s29+$0x0] =	vst.idx.add.f32.msk vm3, v11  }
0x56: {  	v11 =	vld.idx.msk [tilespmem:v12+s2+$0x0], vm3;
	v12 =	vadd.s32 $0x400, v8  }
0x57: {  	v13 =	vadd.s32 $0x1890, v7;
	[tilespmem:v9+s29+$0x0] =	vst.idx.add.f32.msk vm2, v5  }
0x58: {  	v5 =	vadd.s32 $0x800, v6;
	v9 =	vld.idx.msk [tilespmem:v10+s2+$0x0], vm2  }
0x59: {  	v10 =	vadd.s32 $0x24D8, v4;
	_ =	sdelay $0x1  }
0x5a: {  	[tilespmem:v12+s29+$0x0] =	vst.idx.add.f32.msk vm3, v11  }
0x5b: {  	v12 =	vld.idx.msk [tilespmem:v13+s2+$0x0], vm3  }
0x5c: {  	v11 =	vadd.s32 $0x800, v8;
	[tilespmem:v5+s29+$0x0] =	vst.idx.add.f32.msk vm2, v9  }
0x5d: {  	v9 =	vadd.s32 $0xC00, v6;
	v5 =	vld.idx.msk [tilespmem:v10+s2+$0x0], vm2  }
0x5e: {  	v10 =	vadd.s32 $0x3120, v4  }
0x5f: {  	v13 =	vadd.s32 $0x24D8, v7;
	_ =	sdelay $0x1  }
0x60: {  	[tilespmem:v11+s29+$0x0] =	vst.idx.add.f32.msk vm3, v12  }
0x61: {  	s25 =	simm.s32 $0x2;
	s1 =	simm.s32 $0x3;
	vm1 =	vmmov vm2;
	[tilespmem:v9+s29+$0x0] =	vst.idx.add.f32.msk vm2, v5  }
0x62: {  	v15 =	vadd.s32 s1, v2;
	v5 =	vadd.s32 s25, v2;
	v9 =	vld.idx.msk [tilespmem:v10+s2+$0x0], vm2;
	v10 =	vadd.s32 $0x1000, v6  }
0x63: {  	vm0 =	vmmov vm3;
	v11 =	vadd.s32 $0x3D68, v4;
	v12 =	vld.idx.msk [tilespmem:v13+s2+$0x0], vm3;
	vm3 =	vlt.s32 v5, $0xC34  }
0x64: {  	v14 =	vadd.s32 $0xC00, v8;
	vm2 =	vlt.u32 v5, $0xC35;
	v5 =	vnsel vm3, $0xC34, v5  }
0x65: {  	vm4 =	vlt.s32 v15, $0xC34;
	v16 =	vadd.s32 v0, v5  }
0x66: {  	v13 =	vadd.s32 $0x3120, v7;
	vm3 =	vlt.u32 v15, $0xC35;
	v5 =	vnsel vm4, $0xC34, v15  }
0x67: {  	v5 =	vadd.s32 v0, v5;
	[tilespmem:v10+s29+$0x0] =	vst.idx.add.f32.msk vm1, v9  }
0x68: {  	v10 =	vadd.s32 $0x1400, v6;
	v9 =	vld.idx.msk [tilespmem:v11+s2+$0x0], vm1  }
0x69: {  	[tilespmem:v14+s29+$0x0] =	vst.idx.add.f32.msk vm0, v12;
	v11 =	vadd.s32 $0x49B0, v4  }
0x6a: {  	v14 =	vld.idx.msk [tilespmem:v16+s28+$0x0], vm2  }
0x6b: {  	s31 =	simm.s32 $0x62;
	v12 =	vld.idx.msk [tilespmem:v13+s2+$0x0], vm0  }
0x6c: {  	v13 =	vadd.s32 $0x1000, v8;
	v15 =	vadd.s32 s31, v2;
	v4 =	vld.idx.msk [tilespmem:v5+s28+$0x0], vm3  }
0x6d: {  	v17 =	vadd.s32 $0x3D68, v7;
	vm4 =	vlt.s32 v15, $0xC34;
	[tilespmem:v10+s29+$0x0] =	vst.idx.add.f32.msk vm1, v9  }
0x6e: {  	v6 =	vadd.s32 $0x1800, v6;
	v10 =	vnsel vm4, $0xC34, v15;
	v9 =	vld.idx.msk [tilespmem:v11+s2+$0x0], vm1  }
0x6f: {  	vm6 =	vlt.u32 v15, $0xC35;
	v15 =	vadd.s32 v0, v10;
	v10 =	vadd.s32 $0x1C00, v14;
	_ =	sdelay $0x1  }
0x70: {  	[tilespmem:v13+s29+$0x0] =	vst.idx.add.f32.msk vm0, v12  }
0x71: {  	v11 =	vld.idx.msk [tilespmem:v17+s2+$0x0], vm0;
	v12 =	vadd.s32 $0x1C00, v4  }
0x72: {  	[tilespmem:v6+s29+$0x0] =	vst.idx.add.f32.msk vm1, v9  }
0x73: {  	[tilespmem:v10+s29+$0x0] =	vst.idx.add.f32.msk vm2, v3  }
0x74: {  	v9 =	vadd.s32 $0x1400, v8;
	vm1 =	vmmov vm2;
	v6 =	vld.idx.msk [tilespmem:v15+s28+$0x0], vm6  }
0x75: {  	v10 =	vld.idx.msk [tilespmem:v16+s2+$0x0], vm2  }
0x76: {  	v13 =	vadd.s32 $0xC48, v16;
	[tilespmem:v12+s29+$0x0] =	vst.idx.add.f32.msk vm3, v3  }
0x77: {  	v12 =	vld.idx.msk [tilespmem:v5+s2+$0x0], vm3  }
0x78: {  	v17 =	vadd.s32 $0xC48, v5  }
0x79: {  	[tilespmem:v9+s29+$0x0] =	vst.idx.add.f32.msk vm0, v11;
	v9 =	vadd.s32 $0x1C00, v6  }
0x7a: {  	[tilespmem:v14+s29+$0x0] =	vst.idx.add.f32.msk vm1, v10  }
0x7b: {  	v11 =	vadd.s32 $0x400, v14;
	v10 =	vld.idx.msk [tilespmem:v13+s2+$0x0], vm1  }
0x7c: {  	v13 =	vadd.s32 $0x1890, v16;
	[tilespmem:v4+s29+$0x0] =	vst.idx.add.f32.msk vm3, v12  }
0x7d: {  	v12 =	vld.idx.msk [tilespmem:v17+s2+$0x0], vm3;
	v17 =	vadd.s32 $0x400, v4  }
0x7e: {  	v18 =	vadd.s32 $0x1890, v5;
	[tilespmem:v9+s29+$0x0] =	vst.idx.add.f32.msk vm6, v3  }
0x7f: {  	v9 =	vld.idx.msk [tilespmem:v15+s2+$0x0], vm6  }
0x80: {  	[tilespmem:v11+s29+$0x0] =	vst.idx.add.f32.msk vm1, v10;
	v10 =	vadd.s32 $0xC48, v15  }
0x81: {  	v11 =	vadd.s32 $0x800, v14;
	v13 =	vld.idx.msk [tilespmem:v13+s2+$0x0], vm1  }
0x82: {  	v19 =	vadd.s32 $0x24D8, v16;
	[tilespmem:v17+s29+$0x0] =	vst.idx.add.f32.msk vm3, v12  }
0x83: {  	v12 =	vadd.s32 $0x800, v4;
	v17 =	vld.idx.msk [tilespmem:v18+s2+$0x0], vm3  }
0x84: {  	[tilespmem:v6+s29+$0x0] =	vst.idx.add.f32.msk vm6, v9;
	v9 =	vadd.s32 $0x24D8, v5  }
0x85: {  	v18 =	vadd.s32 $0x400, v6;
	v10 =	vld.idx.msk [tilespmem:v10+s2+$0x0], vm6  }
0x86: {  	[tilespmem:v11+s29+$0x0] =	vst.idx.add.f32.msk vm1, v13;
	v11 =	vadd.s32 $0x1890, v15  }
0x87: {  	v13 =	vld.idx.msk [tilespmem:v19+s2+$0x0], vm1;
	v19 =	vadd.s32 $0xC00, v14  }
0x88: {  	[tilespmem:v12+s29+$0x0] =	vst.idx.add.f32.msk vm3, v17;
	v12 =	vadd.s32 $0x3120, v16  }
0x89: {  	v17 =	vadd.s32 $0xC00, v4;
	v9 =	vld.idx.msk [tilespmem:v9+s2+$0x0], vm3  }
0x8a: {  	v20 =	vadd.s32 $0x3120, v5;
	vm2 =	vmmov vm6;
	[tilespmem:v18+s29+$0x0] =	vst.idx.add.f32.msk vm6, v10  }
0x8b: {  	v10 =	vld.idx.msk [tilespmem:v11+s2+$0x0], vm6;
	v11 =	vadd.s32 $0x800, v6  }
0x8c: {  	s30 =	simm.s32 $0x5;
	[tilespmem:v19+s29+$0x0] =	vst.idx.add.f32.msk vm1, v13;
	v13 =	vadd.s32 $0x24D8, v15  }
0x8d: {  	s26 =	simm.s32 $0x4;
	v23 =	vadd.s32 s30, v2;
	v19 =	vadd.s32 $0x1000, v14;
	v18 =	vld.idx.msk [tilespmem:v12+s2+$0x0], vm1  }
0x8e: {  	vm5 =	vmmov vm3;
	[tilespmem:v17+s29+$0x0] =	vst.idx.add.f32.msk vm3, v9;
	v9 =	vadd.s32 s26, v2;
	v17 =	vadd.s32 $0x3D68, v16  }
0x8f: {  	v21 =	vadd.s32 $0x3D68, v5;
	v22 =	vadd.s32 $0x1000, v4;
	v20 =	vld.idx.msk [tilespmem:v20+s2+$0x0], vm3;
	vm3 =	vlt.s32 v9, $0xC34  }
0x90: {  	vm4 =	vlt.u32 v9, $0xC35;
	v9 =	vnsel vm3, $0xC34, v9;
	vm3 =	vlt.s32 v23, $0xC34;
	[tilespmem:v11+s29+$0x0] =	vst.idx.add.f32.msk vm2, v10  }
0x91: {  	vm6 =	vlt.u32 v23, $0xC35;
	v12 =	vadd.s32 v0, v9;
	v9 =	vnsel vm3, $0xC34, v23;
	v23 =	vld.idx.msk [tilespmem:v13+s2+$0x0], vm2  }
0x92: {  	[tilespmem:v19+s29+$0x0] =	vst.idx.add.f32.msk vm1, v18;
	v11 =	vadd.s32 v0, v9  }
0x93: {  	v9 =	vld.idx.msk [tilespmem:v17+s2+$0x0], vm1;
	v17 =	vadd.s32 $0x1400, v14  }
0x94: {  	v16 =	vadd.s32 $0x49B0, v16;
	[tilespmem:v22+s29+$0x0] =	vst.idx.add.f32.msk vm5, v20  }
0x95: {  	vm0 =	vmmov vm0;
	v19 =	vadd.s32 $0x1400, v4;
	v18 =	vld.idx.msk [tilespmem:v21+s2+$0x0], vm5  }
0x96: {  	s30 =	simm.s32 $0x64;
	v7 =	vadd.s32 $0x49B0, v7;
	v13 =	vld.idx.msk [tilespmem:v12+s28+$0x0], vm4  }
0x97: {  	v20 =	vadd.s32 $0xC00, v6;
	v21 =	vadd.s32 s30, v2;
	v10 =	vld.idx.msk [tilespmem:v11+s28+$0x0], vm6  }
0x98: {  	v22 =	vadd.s32 $0x3120, v15;
	vm3 =	vlt.s32 v21, $0xC34;
	[tilespmem:v17+s29+$0x0] =	vst.idx.add.f32.msk vm1, v9  }
0x99: {  	v14 =	vadd.s32 $0x1800, v14;
	vm7 =	vlt.u32 v21, $0xC35;
	v9 =	vnsel vm3, $0xC34, v21;
	v16 =	vld.idx.msk [tilespmem:v16+s2+$0x0], vm1  }
0x9a: {  	v9 =	vadd.s32 v0, v9;
	[tilespmem:v19+s29+$0x0] =	vst.idx.add.f32.msk vm5, v18  }
0x9b: {  	v8 =	vadd.s32 $0x1800, v8;
	v18 =	vld.idx.msk [tilespmem:v7+s2+$0x0], vm0  }
0x9c: {  	s30 =	simm.s32 $0x63;
	[tilespmem:v20+s29+$0x0] =	vst.idx.add.f32.msk vm2, v23;
	v17 =	vadd.s32 $0x1C00, v13  }
0x9d: {  	v21 =	vadd.s32 s30, v2;
	v20 =	vld.idx.msk [tilespmem:v22+s2+$0x0], vm2;
	v19 =	vadd.s32 $0x1C00, v10  }
0x9e: {  	[tilespmem:v14+s29+$0x0] =	vst.idx.add.f32.msk vm1, v16;
	vm1 =	vlt.s32 v21, $0xC34  }
0x9f: {  	vm8 =	vlt.u32 v21, $0xC35;
	v7 =	vld.idx.msk [tilespmem:v9+s28+$0x0], vm7;
	v14 =	vnsel vm1, $0xC34, v21  }
0xa0: {  	vm1 =	vmmov vm2;
	[tilespmem:v8+s29+$0x0] =	vst.idx.add.f32.msk vm0, v18;
	v14 =	vadd.s32 v0, v14  }
0xa1: {  	v16 =	vadd.s32 $0x1000, v6;
	[tilespmem:v17+s29+$0x0] =	vst.idx.add.f32.msk vm4, v3  }
0xa2: {  	vm3 =	vmmov vm4;
	[tilespmem:v19+s29+$0x0] =	vst.idx.add.f32.msk vm6, v3;
	v19 =	vadd.s32 $0x3D68, v15  }
0xa3: {  	v21 =	vld.idx.msk [tilespmem:v12+s2+$0x0], vm4  }
0xa4: {  	v22 =	vadd.s32 $0xC48, v12;
	v17 =	vld.idx.msk [tilespmem:v11+s2+$0x0], vm6  }
0xa5: {  	v8 =	vld.idx.msk [tilespmem:v14+s28+$0x0], vm8  }
0xa6: {  	v18 =	vadd.s32 $0x1C00, v7;
	[tilespmem:v16+s29+$0x0] =	vst.idx.add.f32.msk vm1, v20  }
0xa7: {  	v16 =	vadd.s32 $0xC48, v11;
	v19 =	vld.idx.msk [tilespmem:v19+s2+$0x0], vm1  }
0xa8: {  	[tilespmem:v13+s29+$0x0] =	vst.idx.add.f32.msk vm3, v21  }
0xa9: {  	v21 =	vadd.s32 $0x1400, v6;
	v20 =	vld.idx.msk [tilespmem:v22+s2+$0x0], vm3  }
0xaa: {  	v22 =	vadd.s32 $0x400, v13;
	[tilespmem:v10+s29+$0x0] =	vst.idx.add.f32.msk vm6, v17  }
0xab: {  	[tilespmem:v18+s29+$0x0] =	vst.idx.add.f32.msk vm7, v3;
	v18 =	vadd.s32 $0x1890, v12  }
0xac: {  	v17 =	vadd.s32 $0x1C00, v8;
	v16 =	vld.idx.msk [tilespmem:v16+s2+$0x0], vm6  }
0xad: {  	v23 =	vld.idx.msk [tilespmem:v9+s2+$0x0], vm7  }
0xae: {  	[tilespmem:v21+s29+$0x0] =	vst.idx.add.f32.msk vm1, v19  }
0xaf: {  	v19 =	vadd.s32 $0xC48, v9;
	[tilespmem:v22+s29+$0x0] =	vst.idx.add.f32.msk vm3, v20  }
0xb0: {  	v20 =	vadd.s32 $0x400, v10;
	v18 =	vld.idx.msk [tilespmem:v18+s2+$0x0], vm3  }
0xb1: {  	v15 =	vadd.s32 $0x49B0, v15;
	[tilespmem:v17+s29+$0x0] =	vst.idx.add.f32.msk vm8, v3  }
0xb2: {  	v17 =	vadd.s32 $0x1890, v11;
	[tilespmem:v7+s29+$0x0] =	vst.idx.add.f32.msk vm7, v23  }
0xb3: {  	v23 =	vadd.s32 $0x800, v13;
	v21 =	vld.idx.msk [tilespmem:v14+s2+$0x0], vm8  }
0xb4: {  	v19 =	vld.idx.msk [tilespmem:v19+s2+$0x0], vm7  }
0xb5: {  	v22 =	vadd.s32 $0xC48, v14;
	[tilespmem:v20+s29+$0x0] =	vst.idx.add.f32.msk vm6, v16  }
0xb6: {  	v20 =	vadd.s32 $0x24D8, v12;
	v16 =	vld.idx.msk [tilespmem:v15+s2+$0x0], vm1  }
0xb7: {  	v24 =	vadd.s32 $0x800, v10;
	v17 =	vld.idx.msk [tilespmem:v17+s2+$0x0], vm6  }
0xb8: {  	[tilespmem:v23+s29+$0x0] =	vst.idx.add.f32.msk vm3, v18;
	v23 =	vadd.s32 $0x400, v7  }
0xb9: {  	[tilespmem:v8+s29+$0x0] =	vst.idx.add.f32.msk vm8, v21;
	v21 =	vadd.s32 $0x24D8, v11  }
0xba: {  	v15 =	vadd.s32 $0x400, v8;
	v22 =	vld.idx.msk [tilespmem:v22+s2+$0x0], vm8  }
0xbb: {  	v18 =	vadd.s32 $0x1890, v14;
	v20 =	vld.idx.msk [tilespmem:v20+s2+$0x0], vm3  }
0xbc: {  	v63 =	vadd.s32 $0xC00, v13;
	vm2 =	vmmov vm7;
	[tilespmem:v24+s29+$0x0] =	vst.idx.add.f32.msk vm6, v17  }
0xbd: {  	vm4 =	vmmov vm6;
	v17 =	vadd.s32 $0x1890, v9;
	[tilespmem:v23+s29+$0x0] =	vst.idx.add.f32.msk vm7, v19  }
0xbe: {  	v25 =	vadd.s32 $0xC00, v10;
	v21 =	vld.idx.msk [tilespmem:v21+s2+$0x0], vm6  }
0xbf: {  	v26 =	vadd.s32 $0x3120, v11;
	vm0 =	vmmov vm8;
	[tilespmem:v15+s29+$0x0] =	vst.idx.add.f32.msk vm8, v22  }
0xc0: {  	v28 =	vadd.s32 $0x800, v8;
	v27 =	vld.idx.msk [tilespmem:v18+s2+$0x0], vm8  }
0xc1: {  	[tilespmem:v63+s29+$0x0] =	vst.idx.add.f32.msk vm3, v20  }
0xc2: {  	v23 =	vadd.s32 $0x3120, v12;
	v17 =	vld.idx.msk [tilespmem:v17+s2+$0x0], vm2  }
0xc3: {  	v22 =	vadd.s32 $0x24D8, v14;
	[tilespmem:v25+s29+$0x0] =	vst.idx.add.f32.msk vm4, v21  }
0xc4: {  	vm5 =	vmmov vm5;
	v21 =	vadd.s32 $0x800, v7;
	v18 =	vld.idx.msk [tilespmem:v26+s2+$0x0], vm4  }
0xc5: {  	s30 =	simm.s32 $0x6;
	v19 =	vadd.s32 $0x1000, v10;
	v15 =	vadd.s32 $0x3D68, v11;
	v20 =	vadd.s32 $0x24D8, v9;
	[tilespmem:v28+s29+$0x0] =	vst.idx.add.f32.msk vm0, v27  }
.LBB2_4:
0xc6: {  	s1 =	sadd.s32 $0x1, s30  }
0xc7: {  	v24 =	vadd.s32 s30, v2;
	p0 =	slt.u32 s30, $0x60;
	v23 =	vld.idx.msk [tilespmem:v23+s2+$0x0], vm3;
	v25 =	vadd.s32 $0x1000, v13;
	v26 =	vadd.s32 $0x3120, v14;
	s31 =	smov.u32 s30;
	s30 =	sadd.s32 $0x2, s30  }
0xc8: {  	v28 =	vadd.s32 $0xC00, v8;
	vm6 =	vlt.s32 v24, $0xC34;
	v27 =	vadd.s32 s1, v2;
	v22 =	vld.idx.msk [tilespmem:v22+s2+$0x0], vm0  }
0xc9: {  	vm7 =	vlt.u32 v24, $0xC35;
	v24 =	vnsel vm6, $0xC34, v24;
	vm8 =	vlt.s32 v27, $0xC34;
	[tilespmem:v21+s29+$0x0] =	vst.idx.add.f32.msk vm2, v17  }
0xca: {  	vm6 =	vlt.u32 v27, $0xC35;
	v17 =	vadd.s32 v0, v24;
	v21 =	vnsel vm8, $0xC34, v27;
	v20 =	vld.idx.msk [tilespmem:v20+s2+$0x0], vm2  }
0xcb: {  	v24 =	vadd.s32 $0x3D68, v12;
	v21 =	vadd.s32 v0, v21;
	[tilespmem:v19+s29+$0x0] =	vst.idx.add.f32.msk vm4, v18  }
0xcc: {  	v18 =	vld.idx.msk [tilespmem:v15+s2+$0x0], vm4;
	v15 =	vadd.s32 $0x3D68, v21  }
0xcd: {  	v19 =	vadd.s32 $0x1400, v10;
	[tilespmem:v25+s29+$0x0] =	vst.idx.add.f32.msk vm3, v23  }
0xce: {  	[tilespmem:v28+s29+$0x0] =	vst.idx.add.f32.msk vm0, v22  }
0xcf: {  	v22 =	vadd.s32 $0xC00, v7;
	v23 =	vld.idx.msk [tilespmem:v26+s2+$0x0], vm0  }
0xd0: {  	v25 =	vadd.s32 $0x1000, v8;
	v24 =	vld.idx.msk [tilespmem:v24+s2+$0x0], vm3  }
0xd1: {  	v27 =	vadd.s32 $0x3D68, v14;
	v26 =	vld.idx.msk [tilespmem:v21+s28+$0x0], vm6  }
0xd2: {  	v28 =	vadd.s32 $0x1400, v13;
	[tilespmem:v19+s29+$0x0] =	vst.idx.add.f32.msk vm4, v18  }
0xd3: {  	v19 =	vadd.s32 $0x49B0, v12;
	v12 =	vmov v17;
	v18 =	vld.idx.msk [tilespmem:v17+s28+$0x0], vm7  }
0xd4: {  	v17 =	vadd.s32 $0x49B0, v5;
	v5 =	vmov v11;
	v11 =	vmov v21;
	[tilespmem:v22+s29+$0x0] =	vst.idx.add.f32.msk vm2, v20  }
0xd5: {  	v20 =	vadd.s32 $0x3120, v9;
	[tilespmem:v25+s29+$0x0] =	vst.idx.add.f32.msk vm0, v23  }
0xd6: {  	s1 =	sadd.s32 $0x62, s26;
	v21 =	vadd.s32 $0x1800, v6;
	v6 =	vmov v7;
	v22 =	vld.idx.msk [tilespmem:v27+s2+$0x0], vm0  }
0xd7: {  	v7 =	vadd.s32 s1, v2;
	v23 =	vadd.s32 $0x1400, v8;
	[tilespmem:v28+s29+$0x0] =	vst.idx.add.f32.msk vm3, v24  }
0xd8: {  	v14 =	vadd.s32 $0x49B0, v14;
	vm8 =	vlt.u32 v7, $0xC35;
	vm9 =	vlt.s32 v7, $0xC34;
	v19 =	vld.idx.msk [tilespmem:v19+s2+$0x0], vm3  }
0xd9: {  	v25 =	vadd.s32 $0x1800, v13;
	v7 =	vnsel vm9, $0xC34, v7;
	v24 =	vadd.s32 $0x800, v18;
	v13 =	vmovc v18;
	v17 =	vld.idx.msk [tilespmem:v17+s2+$0x0], vm5  }
0xda: {  	v27 =	vadd.s32 v0, v7;
	v18 =	vadd.s32 $0x1C00, v26;
	v20 =	vld.idx.msk [tilespmem:v20+s2+$0x0], vm2  }
0xdb: {  	v28 =	vadd.s32 $0x1C00, v13;
	[tilespmem:v21+s29+$0x0] =	vst.idx.add.f32.msk vm1, v16;
	vm1 =	vmmov vm2;
	vm2 =	vmmov vm8  }
0xdc: {  	[tilespmem:v23+s29+$0x0] =	vst.idx.add.f32.msk vm0, v22  }
0xdd: {  	s1 =	sadd.s32 $0x63, s25;
	s25 =	smov.u32 s26;
	s26 =	smov.u32 s31;
	v16 =	vld.idx.msk [tilespmem:v14+s2+$0x0], vm0  }
0xde: {  	v8 =	vadd.s32 $0x1800, v8;
	v14 =	vadd.s32 s1, v2;
	[tilespmem:v25+s29+$0x0] =	vst.idx.add.f32.msk vm3, v19;
	vm3 =	vmmov vm7  }
0xdf: {  	v19 =	vadd.s32 $0xC48, v11;
	vm9 =	vlt.s32 v14, $0xC34;
	v7 =	vld.idx.msk [tilespmem:v27+s28+$0x0], vm8;
	vm8 =	vlt.u32 v14, $0xC35  }
0xe0: {  	v21 =	vadd.s32 $0xC48, v12;
	v22 =	vadd.s32 $0x1800, v4;
	v4 =	vmovc v10;
	v10 =	vmovc v26;
	v14 =	vnsel vm9, $0xC34, v14;
	[tilespmem:v28+s29+$0x0] =	vst.idx.add.f32.msk vm7, v3  }
0xe1: {  	v14 =	vadd.s32 v0, v14;
	[tilespmem:v18+s29+$0x0] =	vst.idx.add.f32.msk vm6, v3  }
0xe2: {  	v23 =	vadd.s32 $0x1000, v6;
	v18 =	vld.idx.msk [tilespmem:v11+s2+$0x0], vm6  }
0xe3: {  	v26 =	vadd.s32 $0x3D68, v9;
	v25 =	vld.idx.msk [tilespmem:v12+s2+$0x0], vm7  }
0xe4: {  	[tilespmem:v8+s29+$0x0] =	vst.idx.add.f32.msk vm0, v16;
	vm0 =	vmmov vm8  }
0xe5: {  	[tilespmem:v22+s29+$0x0] =	vst.idx.add.f32.msk vm5, v17;
	vm5 =	vmmov vm4;
	vm4 =	vmmov vm6  }
0xe6: {  	v16 =	vadd.s32 $0x1890, v11;
	v8 =	vld.idx.msk [tilespmem:v14+s28+$0x0], vm8  }
0xe7: {  	v17 =	vadd.s32 $0x1C00, v7;
	[tilespmem:v23+s29+$0x0] =	vst.idx.add.f32.msk vm1, v20  }
0xe8: {  	v20 =	vadd.s32 $0x1890, v12;
	v22 =	vld.idx.msk [tilespmem:v26+s2+$0x0], vm1  }
0xe9: {  	[tilespmem:v13+s29+$0x0] =	vst.idx.add.f32.msk vm7, v25  }
0xea: {  	v23 =	vadd.s32 $0x1400, v6;
	v21 =	vld.idx.msk [tilespmem:v21+s2+$0x0], vm7  }
0xeb: {  	v25 =	vadd.s32 $0x400, v13;
	[tilespmem:v10+s29+$0x0] =	vst.idx.add.f32.msk vm6, v18  }
0xec: {  	[tilespmem:v17+s29+$0x0] =	vst.idx.add.f32.msk vm2, v3;
	v17 =	vadd.s32 $0x1C00, v8  }
0xed: {  	v18 =	vld.idx.msk [tilespmem:v19+s2+$0x0], vm6  }
0xee: {  	v19 =	vadd.s32 $0x400, v10;
	v26 =	vld.idx.msk [tilespmem:v27+s2+$0x0], vm2  }
0xef: {  	[tilespmem:v23+s29+$0x0] =	vst.idx.add.f32.msk vm1, v22  }
0xf0: {  	[tilespmem:v25+s29+$0x0] =	vst.idx.add.f32.msk vm3, v21;
	v21 =	vadd.s32 $0xC48, v27  }
0xf1: {  	[tilespmem:v17+s29+$0x0] =	vst.idx.add.f32.msk vm8, v3  }
0xf2: {  	v17 =	vld.idx.msk [tilespmem:v14+s2+$0x0], vm8  }
0xf3: {  	v22 =	vadd.s32 $0x24D8, v12;
	v20 =	vld.idx.msk [tilespmem:v20+s2+$0x0], vm3  }
0xf4: {  	v23 =	vadd.s32 $0xC48, v14;
	[tilespmem:v7+s29+$0x0] =	vst.idx.add.f32.msk vm2, v26  }
0xf5: {  	v25 =	vadd.s32 $0x800, v10;
	v26 =	vadd.s32 $0x49B0, v9;
	v9 =	vmov v27;
	v21 =	vld.idx.msk [tilespmem:v21+s2+$0x0], vm2  }
0xf6: {  	[tilespmem:v19+s29+$0x0] =	vst.idx.add.f32.msk vm6, v18  }
0xf7: {  	v18 =	vld.idx.msk [tilespmem:v16+s2+$0x0], vm6  }
0xf8: {  	[tilespmem:v8+s29+$0x0] =	vst.idx.add.f32.msk vm0, v17  }
0xf9: {  	v17 =	vadd.s32 $0x24D8, v11;
	v19 =	vld.idx.msk [tilespmem:v23+s2+$0x0], vm0  }
0xfa: {  	v23 =	vadd.s32 $0x400, v8;
	v16 =	vld.idx.msk [tilespmem:v26+s2+$0x0], vm1  }
0xfb: {  	[tilespmem:v24+s29+$0x0] =	vst.idx.add.f32.msk vm3, v20;
	v20 =	vadd.s32 $0x1890, v14  }
0xfc: {  	v27 =	vadd.s32 $0x400, v7;
	v26 =	vadd.s32 $0xC00, v10;
	v24 =	vadd.s32 $0xC00, v13;
	v22 =	vld.idx.msk [tilespmem:v22+s2+$0x0], vm3  }
0xfd: {  	[tilespmem:v25+s29+$0x0] =	vst.idx.add.f32.msk vm4, v18;
	v18 =	vadd.s32 $0x1890, v9  }
0xfe: {  	v25 =	vld.idx.msk [tilespmem:v17+s2+$0x0], vm4  }
0xff: {  	[tilespmem:v23+s29+$0x0] =	vst.idx.add.f32.msk vm0, v19  }
0x100: {  	v19 =	vadd.s32 $0x3120, v11;
	v28 =	vld.idx.msk [tilespmem:v20+s2+$0x0], vm0  }
0x101: {  	[tilespmem:v27+s29+$0x0] =	vst.idx.add.f32.msk vm2, v21;
	v27 =	vadd.s32 $0x800, v8  }
.Ltmp1:
0x102: {  	v23 =	vadd.s32 $0x3120, v12;
	v17 =	vld.idx.msk [tilespmem:v18+s2+$0x0], vm2;
	(pc) =	sbr.rel @p0 .LBB2_4-.Ltmp1, $4  }
0x103: {  	[tilespmem:v24+s29+$0x0] =	vst.idx.add.f32.msk vm3, v22;
	v22 =	vadd.s32 $0x24D8, v14  }
0x104: {  	v21 =	vadd.s32 $0x800, v7;
	[tilespmem:v26+s29+$0x0] =	vst.idx.add.f32.msk vm4, v25  }
0x105: {  	v20 =	vadd.s32 $0x24D8, v9;
	v18 =	vld.idx.msk [tilespmem:v19+s2+$0x0], vm4  }
0x106: {  	v19 =	vadd.s32 $0x1000, v10;
	[tilespmem:v27+s29+$0x0] =	vst.idx.add.f32.msk vm0, v28  }
0x107: {  	_ =	sdelay $0x4  }
0x108: {  	v23 =	vld.idx.msk [tilespmem:v23+s2+$0x0], vm3  }
0x109: {  	v24 =	vadd.s32 $0x1000, v13;
	v22 =	vld.idx.msk [tilespmem:v22+s2+$0x0], vm0  }
0x10a: {  	[tilespmem:v21+s29+$0x0] =	vst.idx.add.f32.msk vm2, v17;
	v44 =	vadd.s32 $0xC00, v8  }
0x10b: {  	v5 =	vadd.s32 $0x49B0, v5;
	v20 =	vld.idx.msk [tilespmem:v20+s2+$0x0], vm2  }
0x10c: {  	v6 =	vadd.s32 $0x1800, v6;
	[tilespmem:v19+s29+$0x0] =	vst.idx.add.f32.msk vm4, v18  }
0x10d: {  	v43 =	vadd.s32 $0x3D68, v12;
	v15 =	vld.idx.msk [tilespmem:v15+s2+$0x0], vm4  }
0x10e: {  	v25 =	vadd.s32 $0x3120, v14;
	[tilespmem:v24+s29+$0x0] =	vst.idx.add.f32.msk vm3, v23  }
0x10f: {  	v46 =	vadd.s32 $0xC00, v7;
	[tilespmem:v44+s29+$0x0] =	vst.idx.add.f32.msk vm0, v22  }
0x110: {  	v52 =	vadd.s32 $0x3120, v9;
	v5 =	vld.idx.msk [tilespmem:v5+s2+$0x0], vm5  }
0x111: {  	v45 =	vadd.s32 $0x1400, v10;
	vm15 =	vmmov vm4;
	[tilespmem:v6+s29+$0x0] =	vst.idx.add.f32.msk vm1, v16  }
0x112: {  	s31 =	sadd.s32 $0x63, s25;
	v11 =	vadd.s32 $0x49B0, v11;
	v17 =	vld.idx.msk [tilespmem:v43+s2+$0x0], vm3  }
0x113: {  	v4 =	vadd.s32 $0x1800, v4;
	v54 =	vadd.s32 s31, v2;
	v21 =	vld.idx.msk [tilespmem:v25+s2+$0x0], vm0  }
0x114: {  	v47 =	vadd.s32 $0x1400, v13;
	vm9 =	vlt.s32 v54, $0xC34;
	[tilespmem:v46+s29+$0x0] =	vst.idx.add.f32.msk vm2, v20  }
0x115: {  	v49 =	vadd.s32 $0x1000, v8;
	vm8 =	vlt.u32 v54, $0xC35;
	v56 =	vnsel vm9, $0xC34, v54;
	v57 =	vld.idx.msk [tilespmem:v52+s2+$0x0], vm2  }
0x116: {  	s25 =	sadd.s32 $0x63, s26;
	v58 =	vadd.s32 v0, v56;
	[tilespmem:v45+s29+$0x0] =	vst.idx.add.f32.msk vm4, v15  }
0x117: {  	v48 =	vadd.s32 $0x49B0, v12;
	v59 =	vadd.s32 s25, v2;
	v11 =	vld.idx.msk [tilespmem:v11+s2+$0x0], vm15  }
0x118: {  	v50 =	vadd.s32 $0x3D68, v14;
	vm10 =	vlt.s32 v59, $0xC34;
	[tilespmem:v4+s29+$0x0] =	vst.idx.add.f32.msk vm5, v5  }
0x119: {  	s1 =	sadd.s32 $0x62, s26;
	v62 =	vadd.s32 $0x1800, v10;
	vm11 =	vlt.u32 v59, $0xC35;
	v61 =	vnsel vm10, $0xC34, v59;
	[tilespmem:v47+s29+$0x0] =	vst.idx.add.f32.msk vm3, v17  }
0x11a: {  	vm12 =	vmmov vm2;
	v51 =	vadd.s32 s1, v2;
	v4 =	vadd.s32 v0, v61;
	[tilespmem:v49+s29+$0x0] =	vst.idx.add.f32.msk vm0, v21  }
0x11b: {  	vm7 =	vlt.s32 v51, $0xC34;
	v5 =	vadd.s32 $0x1000, v7;
	v63 =	vld.idx.msk [tilespmem:v58+s28+$0x0], vm8  }
0x11c: {  	v53 =	vadd.s32 $0x1800, v13;
	vm6 =	vlt.u32 v51, $0xC35;
	v15 =	vnsel vm7, $0xC34, v51;
	v12 =	vld.idx.msk [tilespmem:v48+s2+$0x0], vm3  }
0x11d: {  	v15 =	vadd.s32 v0, v15;
	v55 =	vld.idx.msk [tilespmem:v50+s2+$0x0], vm0  }
0x11e: {  	v21 =	vadd.s32 $0x3D68, v9;
	[tilespmem:v62+s29+$0x0] =	vst.idx.add.f32.msk vm15, v11  }
0x11f: {  	v60 =	vadd.s32 $0x1400, v8;
	v11 =	vld.idx.msk [tilespmem:v4+s28+$0x0], vm11  }
0x120: {  	[tilespmem:v5+s29+$0x0] =	vst.idx.add.f32.msk vm12, v57;
	v5 =	vadd.s32 $0x1C00, v63  }
0x121: {  	[tilespmem:v53+s29+$0x0] =	vst.idx.add.f32.msk vm3, v12  }
0x122: {  	v23 =	vadd.s32 $0x49B0, v14;
	v20 =	vld.idx.msk [tilespmem:v15+s28+$0x0], vm6  }
0x123: {  	v24 =	vadd.s32 $0x1400, v7;
	v6 =	vld.idx.msk [tilespmem:v21+s2+$0x0], vm12;
	vm3 =	vmmov vm11  }
0x124: {  	[tilespmem:v60+s29+$0x0] =	vst.idx.add.f32.msk vm0, v55;
	v25 =	vadd.s32 $0x1C00, v11  }
0x125: {  	[tilespmem:v5+s29+$0x0] =	vst.idx.add.f32.msk vm8, v3  }
0x126: {  	v5 =	vld.idx.msk [tilespmem:v58+s2+$0x0], vm8  }
0x127: {  	v10 =	vld.idx.msk [tilespmem:v23+s2+$0x0], vm0;
	v22 =	vadd.s32 $0x1C00, v20  }
0x128: {  	[tilespmem:v24+s29+$0x0] =	vst.idx.add.f32.msk vm12, v6  }
0x129: {  	v28 =	vadd.s32 $0x49B0, v9;
	[tilespmem:v25+s29+$0x0] =	vst.idx.add.f32.msk vm3, v3  }
0x12a: {  	v26 =	vadd.s32 $0xC48, v58;
	v29 =	vld.idx.msk [tilespmem:v4+s2+$0x0], vm3  }
0x12b: {  	[tilespmem:v63+s29+$0x0] =	vst.idx.add.f32.msk vm8, v5  }
0x12c: {  	v5 =	vadd.s32 $0xC48, v4;
	[tilespmem:v22+s29+$0x0] =	vst.idx.add.f32.msk vm6, v3  }
0x12d: {  	v13 =	vld.idx.msk [tilespmem:v15+s2+$0x0], vm6  }
0x12e: {  	v27 =	vadd.s32 $0xC48, v15;
	v9 =	vld.idx.msk [tilespmem:v28+s2+$0x0], vm12  }
0x12f: {  	v30 =	vadd.s32 $0x400, v63;
	v6 =	vld.idx.msk [tilespmem:v26+s2+$0x0], vm8  }
0x130: {  	v31 =	vadd.s32 $0x1890, v58;
	[tilespmem:v11+s29+$0x0] =	vst.idx.add.f32.msk vm3, v29  }
0x131: {  	v34 =	vadd.s32 $0x400, v11;
	v5 =	vld.idx.msk [tilespmem:v5+s2+$0x0], vm3  }
0x132: {  	v35 =	vadd.s32 $0x1890, v4;
	[tilespmem:v20+s29+$0x0] =	vst.idx.add.f32.msk vm6, v13  }
0x133: {  	v32 =	vadd.s32 $0x400, v20;
	v14 =	vld.idx.msk [tilespmem:v27+s2+$0x0], vm6  }
0x134: {  	v33 =	vadd.s32 $0x1890, v15;
	[tilespmem:v30+s29+$0x0] =	vst.idx.add.f32.msk vm8, v6  }
0x135: {  	v36 =	vadd.s32 $0x800, v63;
	v16 =	vld.idx.msk [tilespmem:v31+s2+$0x0], vm8  }
0x136: {  	v37 =	vadd.s32 $0x24D8, v58;
	[tilespmem:v34+s29+$0x0] =	vst.idx.add.f32.msk vm3, v5  }
0x137: {  	v40 =	vadd.s32 $0x800, v11;
	v5 =	vld.idx.msk [tilespmem:v35+s2+$0x0], vm3  }
0x138: {  	vm13 =	vmmov vm6;
	v41 =	vadd.s32 $0x24D8, v4;
	[tilespmem:v32+s29+$0x0] =	vst.idx.add.f32.msk vm6, v14  }
0x139: {  	v38 =	vadd.s32 $0x800, v20;
	v19 =	vld.idx.msk [tilespmem:v33+s2+$0x0], vm6  }
0x13a: {  	vm14 =	vmmov vm8;
	v39 =	vadd.s32 $0x24D8, v15;
	[tilespmem:v36+s29+$0x0] =	vst.idx.add.f32.msk vm8, v16  }
0x13b: {  	v42 =	vadd.s32 $0xC00, v63;
	v14 =	vld.idx.msk [tilespmem:v37+s2+$0x0], vm8  }
0x13c: {  	v43 =	vadd.s32 $0x3120, v58;
	[tilespmem:v40+s29+$0x0] =	vst.idx.add.f32.msk vm3, v5  }
0x13d: {  	v46 =	vadd.s32 $0xC00, v11;
	v5 =	vld.idx.msk [tilespmem:v41+s2+$0x0], vm3  }
0x13e: {  	v47 =	vadd.s32 $0x3120, v4;
	[tilespmem:v38+s29+$0x0] =	vst.idx.add.f32.msk vm13, v19  }
0x13f: {  	v44 =	vadd.s32 $0xC00, v20;
	v19 =	vld.idx.msk [tilespmem:v39+s2+$0x0], vm13  }
0x140: {  	v45 =	vadd.s32 $0x3120, v15;
	[tilespmem:v42+s29+$0x0] =	vst.idx.add.f32.msk vm14, v14  }
0x141: {  	v48 =	vadd.s32 $0x1000, v63;
	v14 =	vld.idx.msk [tilespmem:v43+s2+$0x0], vm14  }
0x142: {  	v49 =	vadd.s32 $0x3D68, v58;
	[tilespmem:v46+s29+$0x0] =	vst.idx.add.f32.msk vm3, v5  }
0x143: {  	v52 =	vadd.s32 $0x1000, v11;
	v5 =	vld.idx.msk [tilespmem:v47+s2+$0x0], vm3  }
0x144: {  	v53 =	vadd.s32 $0x3D68, v4;
	[tilespmem:v44+s29+$0x0] =	vst.idx.add.f32.msk vm13, v19  }
0x145: {  	v50 =	vadd.s32 $0x1000, v20;
	v19 =	vld.idx.msk [tilespmem:v45+s2+$0x0], vm13  }
0x146: {  	v51 =	vadd.s32 $0x3D68, v15;
	[tilespmem:v48+s29+$0x0] =	vst.idx.add.f32.msk vm14, v14  }
0x147: {  	v54 =	vadd.s32 $0x1400, v63;
	v14 =	vld.idx.msk [tilespmem:v49+s2+$0x0], vm14  }
0x148: {  	v55 =	vadd.s32 $0x49B0, v58;
	[tilespmem:v52+s29+$0x0] =	vst.idx.add.f32.msk vm3, v5  }
0x149: {  	v58 =	vadd.s32 $0x1400, v11;
	v5 =	vld.idx.msk [tilespmem:v53+s2+$0x0], vm3  }
0x14a: {  	v4 =	vadd.s32 $0x49B0, v4;
	[tilespmem:v50+s29+$0x0] =	vst.idx.add.f32.msk vm13, v19  }
0x14b: {  	v57 =	vadd.s32 $0x1400, v20;
	v56 =	vld.idx.msk [tilespmem:v51+s2+$0x0], vm13  }
0x14c: {  	v15 =	vadd.s32 $0x49B0, v15;
	[tilespmem:v54+s29+$0x0] =	vst.idx.add.f32.msk vm14, v14  }
0x14d: {  	v59 =	vadd.s32 $0x1800, v8;
	v60 =	vld.idx.msk [tilespmem:v55+s2+$0x0], vm14  }
0x14e: {  	v61 =	vadd.s32 $0x1800, v7;
	[tilespmem:v58+s29+$0x0] =	vst.idx.add.f32.msk vm3, v5  }
0x14f: {  	v12 =	vadd.s32 $0x1800, v63;
	v4 =	vld.idx.msk [tilespmem:v4+s2+$0x0], vm3  }
0x150: {  	v5 =	vadd.s32 $0x1800, v11;
	[tilespmem:v57+s29+$0x0] =	vst.idx.add.f32.msk vm13, v56  }
0x151: {  	v63 =	vadd.s32 $0x1800, v20;
	v62 =	vld.idx.msk [tilespmem:v15+s2+$0x0], vm13  }
0x152: {  	[tilespmem:v59+s29+$0x0] =	vst.idx.add.f32.msk vm0, v10  }
0x153: {  	[tilespmem:v61+s29+$0x0] =	vst.idx.add.f32.msk vm12, v9  }
0x154: {  	[tilespmem:v12+s29+$0x0] =	vst.idx.add.f32.msk vm14, v60  }
0x155: {  	[tilespmem:v5+s29+$0x0] =	vst.idx.add.f32.msk vm3, v4  }
0x156: {  	[tilespmem:v63+s29+$0x0] =	vst.idx.add.f32.msk vm13, v62  }
0x157: {  	[hbm4b:s11+s2] =	stream.linear.scatter [tilespmem:s29], [sflag:$0x1], $0x400, $0x38;
	[tilespmem:$0x8240] =	vst v63  }
0x158: {  	_ =	swait.ge [sflag:s20], $0x400  }
0x159: {  	[sflag:s20] =	ssyncset.done $0x0  }
0x15a: {  	s26 =	simm.s32 $0x6640;
	[sflag:s20] =	ssyncadd.s32 $0xFFFFFC00  }
0x15b: {  	[hbm4b:s12+s2] =	stream.linear.scatter [tilespmem:s26], [sflag:$0x1], $0x400, $0x38;
	[tilespmem:$0x8240] =	vst v63  }
0x15c: {  	_ =	swait.ge [sflag:s20], $0x400  }
0x15d: {  	[sflag:s20] =	ssyncset.done $0x0  }
0x15e: {  	s30 =	simm.s32 $0x6A40;
	[sflag:s20] =	ssyncadd.s32 $0xFFFFFC00  }
0x15f: {  	[hbm4b:s13+s2] =	stream.linear.scatter [tilespmem:s30], [sflag:$0x1], $0x400, $0x38;
	[tilespmem:$0x8240] =	vst v63  }
0x160: {  	_ =	swait.ge [sflag:s20], $0x400  }
0x161: {  	[sflag:s20] =	ssyncset.done $0x0  }
0x162: {  	s31 =	simm.s32 $0x6E40;
	[sflag:s20] =	ssyncadd.s32 $0xFFFFFC00  }
0x163: {  	[hbm4b:s14+s2] =	stream.linear.scatter [tilespmem:s31], [sflag:$0x1], $0x400, $0x38;
	[tilespmem:$0x8240] =	vst v63  }
0x164: {  	_ =	swait.ge [sflag:s20], $0x400  }
0x165: {  	[sflag:s20] =	ssyncset.done $0x0  }
0x166: {  	[sflag:s20] =	ssyncadd.s32 $0xFFFFFC00  }
0x167: {  	[hbm4b:s15+s2] =	stream.linear.scatter [tilespmem:s0], [sflag:$0x1], $0x400, $0x38;
	[tilespmem:$0x8240] =	vst v63  }
0x168: {  	_ =	swait.ge [sflag:s20], $0x400  }
0x169: {  	[sflag:s20] =	ssyncset.done $0x0  }
0x16a: {  	[sflag:s20] =	ssyncadd.s32 $0xFFFFFC00  }
0x16b: {  	[hbm4b:s16+s2] =	stream.linear.scatter [tilespmem:s21], [sflag:$0x1], $0x400, $0x38;
	[tilespmem:$0x8240] =	vst v63  }
0x16c: {  	_ =	swait.ge [sflag:s20], $0x400  }
0x16d: {  	[sflag:s20] =	ssyncset.done $0x0  }
0x16e: {  	[sflag:s20] =	ssyncadd.s32 $0xFFFFFC00  }
0x16f: {  	[hbm4b:s17+s2] =	stream.linear.scatter [tilespmem:s22], [sflag:$0x1], $0x400, $0x38;
	[tilespmem:$0x8240] =	vst v63  }
0x170: {  	s24 =	sadd.s32 $0x1, s24;
	_ =	swait.ge [sflag:s20], $0x400  }
0x171: {  	p0 =	sne.s32 s24, s19;
	[sflag:s20] =	ssyncset.done $0x0  }
.Ltmp2:
0x172: {  	[sflag:s20] =	ssyncadd.s32 $0xFFFFFC00;
	(pc) =	sbr.rel @p0 .LBB2_1-.Ltmp2, $4  }
0x173: {  	[hbm4b:s18+s2] =	stream.linear.scatter [tilespmem:s23], [sflag:$0x1], $0x400, $0x38;
	[tilespmem:$0x8240] =	vst v63  }
0x174: {  	_ =	swait.ge [sflag:s20], $0x400  }
0x175: {  	[sflag:s20] =	ssyncset.done $0x0  }
0x176: {  	vm15 =	vmmov vm13;
	[sflag:s20] =	ssyncadd.s32 $0xFFFFFC00  }
0x177: {  	_ =	sfence.sel $0x180000  }
0x178: {  	[bflag:$0x0] =	sbarrier.arrive $0xFFFF  }
0x179: {  	_ =	strace $0x90000047  }
0x17a: {  	s0 =	stileid.u32;
	[bflag:$0x2] =	sbarrier.arrive $0xFFFF  }
0x17b: {  	p0 =	sne.s32 s0, $0x0;
	s0 =	rddreg [dreg:$0x2]  }
0x17c: {  	s0 =	sadd.s32 @!p0 $0x100000, s0  }
0x17d: {  	[sflag:s0] =	ssyncadd.tile.s32 @!p0 $0x1;
	_ =	shalt  }
.Lfunc_end2:
_tile_overlayer_lowered:
.L_overlay_start_2:
0x17e: {  	(tag) =	ssettag $0x2  }
0x17f: {  	s0 =	rddreg [dreg:$0x0];
	s2 =	stileid.u32  }
0x180: {  	s1 =	rddreg [dreg:$0x1];
	p0 =	sne.s32 s2, $0x0  }
0x181: {  	s3 =	rddreg [dreg:$0x2];
	[bflag:$0x3] =	sbarrier.arrive $0xFFFF;
	s2 =	simm.s32 @!p0 $0x1C01  }
0x182: {  	[timem:s3], [sflag:s2] =	dma.local @!p0 [hbm:s0], s1  }
0x183: {  	s0 =	simm.s32 @!p0 $0x1  }
0x184: {  	_ =	swait.ge @!p0 [sflag:s0], s1  }
0x185: {  	s1 =	ssub.s32 @!p0 $0x0, s1;
	[sflag:s0] =	ssyncset.done @!p0 $0x0  }
0x186: {  	[sflag:s0] =	ssyncadd.s32 @!p0 s1  }
0x187: {  	[bflag:$0x3] =	sbarrier.arrive $0xFFFF  }
0x188: {  	_ =	shalt  }

</sc_bundles>
